<compile_context>
chip_gen: v7x
topology: tpu7x:2x2x1
jax: 0.10.2.dev20260603
libtpu: 0.0.44.dev20260713+nightly
codegen_flags: <defaults>
</compile_context>

<pallas_src>
import functools

import jax
import jax.numpy as jnp
import numpy as np
from jax import lax
from jax.experimental import pallas as pl
from jax.experimental.pallas import tpu as pltpu
from jax.experimental.pallas import tpu_sc as plsc

PH = PW = 7
G = 2
NB = PH * PW
K = G * G * 4
J = NB * K
JPAD = 896
NW = 32
LANES = 16
BLK_R = 128


def _coord_kernel(hw_ref, prep_ref, idx_ref, wgt_ref):
    h = hw_ref[0]
    w = hw_ref[1]
    hf = h.astype(jnp.float32)
    wf = w.astype(jnp.float32)
    j = lax.broadcasted_iota(jnp.int32, (BLK_R, JPAD), 1)
    ph = (j // (PW * 16)).astype(jnp.float32)
    pw = ((j // 16) % PW).astype(jnp.float32)
    iy = ((j // 8) % 2).astype(jnp.float32)
    ix = ((j // 4) % 2).astype(jnp.float32)
    ny = (j // 2) % 2
    nx = j % 2

    cw = prep_ref[:, 0:1]
    ch = prep_ref[:, 1:2]
    rw = prep_ref[:, 2:3]
    rh = prep_ref[:, 3:4]
    cs = prep_ref[:, 4:5]
    sn = prep_ref[:, 5:6]
    base = prep_ref[:, 6:7]

    bin_h = rh / PH
    bin_w = rw / PW
    yy = -rh / 2.0 + (ph + (iy + 0.5) / G) * bin_h
    xx = -rw / 2.0 + (pw + (ix + 0.5) / G) * bin_w
    y = yy * cs - xx * sn + ch
    x = yy * sn + xx * cs + cw
    valid = (y >= -1.0) & (y <= hf) & (x >= -1.0) & (x <= wf)
    y = jnp.maximum(y, 0.0)
    x = jnp.maximum(x, 0.0)
    y_low = jnp.floor(y)
    x_low = jnp.floor(x)
    y_cond = y_low >= hf - 1.0
    x_cond = x_low >= wf - 1.0
    y_low = jnp.where(y_cond, hf - 1.0, y_low)
    x_low = jnp.where(x_cond, wf - 1.0, x_low)
    y_high = jnp.where(y_cond, hf - 1.0, y_low + 1.0)
    x_high = jnp.where(x_cond, wf - 1.0, x_low + 1.0)
    ly = jnp.where(y_cond, 0.0, y - y_low)
    lx = jnp.where(x_cond, 0.0, x - x_low)
    wy = jnp.where(ny == 1, ly, 1.0 - ly)
    wx = jnp.where(nx == 1, lx, 1.0 - lx)
    wgt_ref[...] = wy * wx * valid.astype(jnp.float32) * (1.0 / (G * G))
    ysel = jnp.where(ny == 1, y_high, y_low)
    xsel = jnp.where(nx == 1, x_high, x_low)
    idx_ref[...] = (base + ysel * wf + xsel).astype(jnp.int32)


BLK_H = 8


def _tr_kernel(in_ref, out_ref):
    out_ref[0] = jnp.transpose(in_ref[0], (1, 2, 0))


def _to_nhwc(x):
    n, c, h, w = x.shape
    nh = h // BLK_H
    out = pl.pallas_call(
        _tr_kernel,
        grid=(n, nh),
        in_specs=[pl.BlockSpec((1, c, BLK_H, w), lambda i, j: (i, 0, j, 0))],
        out_specs=pl.BlockSpec(
            (1, BLK_H, w, c), lambda i, j, _nh=nh: (i * _nh + j, 0, 0, 0)
        ),
        out_shape=jax.ShapeDtypeStruct((n * nh, BLK_H, w, c), jnp.float32),
    )(x)
    return out.reshape(n * h * w, c)


def _expand_rois(hw, prep, rpad):
    return pl.pallas_call(
        _coord_kernel,
        grid=(rpad // BLK_R,),
        in_specs=[
            pl.BlockSpec(memory_space=pltpu.SMEM),
            pl.BlockSpec((BLK_R, 8), lambda i: (i, 0)),
        ],
        out_specs=[
            pl.BlockSpec((BLK_R, JPAD), lambda i: (i, 0)),
            pl.BlockSpec((BLK_R, JPAD), lambda i: (i, 0)),
        ],
        out_shape=[
            jax.ShapeDtypeStruct((rpad, JPAD), jnp.int32),
            jax.ShapeDtypeStruct((rpad, JPAD), jnp.float32),
        ],
    )(hw, prep)


def _sc_align(table, idxs, wgts, c, rpad):
    rpw = rpad // NW
    cb_n = c // LANES

    mesh = plsc.VectorSubcoreMesh(core_axis_name="c", subcore_axis_name="s")
    chunk = 7 * K
    nchunk = NB // 7

    @functools.partial(
        pl.kernel,
        mesh=mesh,
        out_type=jax.ShapeDtypeStruct((rpad, NB, c), jnp.float32),
        scratch_types=[
            pltpu.VMEM((2 * JPAD,), jnp.int32),
            pltpu.VMEM((2 * JPAD,), jnp.float32),
            pltpu.VMEM((3, chunk, c), jnp.float32),
            pltpu.VMEM((2, NB, c), jnp.float32),
            pltpu.SemaphoreType.DMA,
            pltpu.SemaphoreType.DMA,
            pltpu.SemaphoreType.DMA,
            pltpu.SemaphoreType.DMA,
        ],
    )
    def body(table_hbm, idx_hbm, wgt_hbm, out_hbm, idx_v, w_v, rows_v, stage_v, sem, semb, osem, isem):
        cid = lax.axis_index("c")
        sid = lax.axis_index("s")
        wid = sid * 2 + cid
        r0 = wid * rpw

        pltpu.sync_copy(idx_hbm.at[r0], idx_v.at[pl.ds(0, JPAD)])
        pltpu.sync_copy(wgt_hbm.at[r0], w_v.at[pl.ds(0, JPAD)])
        pltpu.async_copy(
            table_hbm.at[idx_v.at[pl.ds(0, chunk)]], rows_v.at[0], sem
        )
        pltpu.async_copy(
            table_hbm.at[idx_v.at[pl.ds(chunk, chunk)]], rows_v.at[1], semb
        )

        def roi_body(i, carry):
            r = r0 + i
            islot = lax.rem(i, 2)
            sslot = islot
            ibase = islot * JPAD
            nbase = (1 - islot) * JPAD

            @pl.when(i + 1 < rpw)
            def _prefetch_idx():
                pltpu.async_copy(idx_hbm.at[r + 1], idx_v.at[pl.ds(nbase, JPAD)], isem)
                pltpu.async_copy(wgt_hbm.at[r + 1], w_v.at[pl.ds(nbase, JPAD)], isem)

            @pl.when(i >= 2)
            def _drain_out():
                pltpu.make_async_copy(stage_v.at[sslot], out_hbm.at[r], osem).wait()

            def chunk_body(p, carry2):
                t = i * nchunk + p
                gslot = lax.rem(t, 3)
                nslot = lax.rem(t + 2, 3)
                even = lax.rem(t, 2) == 0

                @pl.when(even)
                def _wait_e():
                    pltpu.make_async_copy(
                        table_hbm.at[idx_v.at[pl.ds(0, chunk)]], rows_v.at[gslot], sem
                    ).wait()

                @pl.when(jnp.logical_not(even))
                def _wait_o():
                    pltpu.make_async_copy(
                        table_hbm.at[idx_v.at[pl.ds(0, chunk)]], rows_v.at[gslot], semb
                    ).wait()

                def _issue(off, s):
                    pltpu.async_copy(
                        table_hbm.at[idx_v.at[pl.ds(off, chunk)]],
                        rows_v.at[nslot],
                        s,
                    )

                @pl.when(p < nchunk - 2)
                def _prefetch_same_roi():
                    off = ibase + (p + 2) * chunk

                    @pl.when(even)
                    def _ie():
                        _issue(off, sem)

                    @pl.when(jnp.logical_not(even))
                    def _io():
                        _issue(off, semb)

                @pl.when((p == nchunk - 2) & (i + 1 < rpw))
                def _prefetch_roi_c0():
                    pltpu.make_async_copy(
                        idx_hbm.at[r + 1], idx_v.at[pl.ds(nbase, JPAD)], isem
                    ).wait()
                    pltpu.make_async_copy(
                        wgt_hbm.at[r + 1], w_v.at[pl.ds(nbase, JPAD)], isem
                    ).wait()

                    @pl.when(even)
                    def _ie():
                        _issue(nbase, sem)

                    @pl.when(jnp.logical_not(even))
                    def _io():
                        _issue(nbase, semb)

                @pl.when((p == nchunk - 1) & (i + 1 < rpw))
                def _prefetch_roi_c1():
                    @pl.when(even)
                    def _ie():
                        _issue(nbase + chunk, sem)

                    @pl.when(jnp.logical_not(even))
                    def _io():
                        _issue(nbase + chunk, semb)

                def bin_body(bb, carry3):
                    b = p * 7 + bb
                    w16 = w_v[pl.ds(ibase + b * K, LANES)]
                    wsp = [jnp.full((LANES,), w16[j], jnp.float32) for j in range(K)]

                    def cb_step(cb, carry4):
                        ch0 = cb * LANES
                        acc = wsp[0] * rows_v[gslot, bb * K, pl.ds(ch0, LANES)]
                        for j2 in range(1, K):
                            acc = acc + wsp[j2] * rows_v[gslot, bb * K + j2, pl.ds(ch0, LANES)]
                        stage_v[sslot, b, pl.ds(ch0, LANES)] = acc
                        return carry4

                    lax.fori_loop(0, cb_n, cb_step, 0)
                    return carry3

                lax.fori_loop(0, 7, bin_body, 0)
                return carry2

            lax.fori_loop(0, nchunk, chunk_body, 0)
            pltpu.async_copy(stage_v.at[sslot], out_hbm.at[r], osem)
            return carry

        lax.fori_loop(0, rpw, roi_body, 0)
        pltpu.make_async_copy(stage_v.at[0], out_hbm.at[r0], osem).wait()
        pltpu.make_async_copy(stage_v.at[1], out_hbm.at[r0], osem).wait()

    return body(table, idxs, wgts)


def kernel(input, rois):
    n, c, h, w = input.shape
    r = rois.shape[0]
    rpad = ((r + NW - 1) // NW) * NW
    rpad = max(((rpad + BLK_R - 1) // BLK_R) * BLK_R, BLK_R)

    table = jnp.transpose(input, (0, 2, 3, 1)).reshape(n * h * w, c)

    scale = 0.25
    rp = jnp.concatenate([rois, jnp.zeros((rpad - r, 6), rois.dtype)], axis=0)
    theta = rp[:, 5] * (np.pi / 180.0)
    prep = jnp.stack(
        [
            rp[:, 1] * scale - 0.5,
            rp[:, 2] * scale - 0.5,
            rp[:, 3] * scale,
            rp[:, 4] * scale,
            jnp.cos(theta),
            jnp.sin(theta),
            rp[:, 0] * float(h * w),
            jnp.zeros_like(rp[:, 0]),
        ],
        axis=1,
    )
    hw = jnp.array([h, w], dtype=jnp.int32)

    idxs, wgts = _expand_rois(hw, prep, rpad)
    out = _sc_align(table, idxs, wgts, c, rpad)
    return jnp.transpose(out[:r], (0, 2, 1)).reshape(r, c, PH, PW)

# --- scband reference (transcript-rebuilt; emitter-appended) ---
"""Pipeline reference for scband-roialign-rotated-23845658427952 (READ-ONLY COPY).

The authoritative reference and input builder live on the scoring server;
editing this copy changes nothing except your own understanding.
"""

import jax, jax.numpy as jnp
import numpy as np

OUTPUT_SIZE = (7, 7)
SPATIAL_SCALE = 0.25
SAMPLING_RATIO = 2


def setup_inputs(seed: int = 0) -> dict:
    key = jax.random.key(seed)
    k1, k2 = jax.random.split(key)
    x = jax.random.normal(k1, (2, 256, 200, 200), dtype=jnp.float32)
    # rois built from uniform [0,1) draws (fill=rand), scaled column-wise to
    # realistic image-space rotated boxes: (batch_idx, x_ctr, y_ctr, w, h, angle_deg)
    u = jax.random.uniform(k2, (1000, 6), dtype=jnp.float32)
    batch_idx = jnp.floor(u[:, 0] * 2.0)
    x_ctr = u[:, 1] * 800.0
    y_ctr = u[:, 2] * 800.0
    w = 32.0 + u[:, 3] * 256.0
    h = 32.0 + u[:, 4] * 256.0
    angle = u[:, 5] * 360.0 - 180.0
    rois = jnp.stack([batch_idx, x_ctr, y_ctr, w, h, angle], axis=1).astype(jnp.float32)
    return {"input": x, "rois": rois}


def _roi_align_rotated(inp, rois, spatial_scale, pooled_h, pooled_w, sampling_ratio):
    N, C, H, W = inp.shape
    R = rois.shape[0]
    g = sampling_ratio  # > 0 => fixed grid (matches detectron2 when sampling_ratio > 0)
    batch = rois[:, 0].astype(jnp.int32)
    roi_cw = rois[:, 1] * spatial_scale - 0.5  # aligned=True offset
    roi_ch = rois[:, 2] * spatial_scale - 0.5
    roi_w = rois[:, 3] * spatial_scale
    roi_h = rois[:, 4] * spatial_scale
    theta = rois[:, 5] * jnp.pi / 180.0
    cos_t = jnp.cos(theta)
    sin_t = jnp.sin(theta)
    bin_h = roi_h / pooled_h
    bin_w = roi_w / pooled_w
    grid = (jnp.arange(g, dtype=jnp.float32) + 0.5) / g
    py = jnp.arange(pooled_h, dtype=jnp.float32)
    px = jnp.arange(pooled_w, dtype=jnp.float32)
    # local (unrotated) sample coords relative to roi center
    yy = (-roi_h / 2.0)[:, None, None] + (py[None, :, None] + grid[None, None, :]) * bin_h[:, None, None]  # [R,ph,g]
    xx = (-roi_w / 2.0)[:, None, None] + (px[None, :, None] + grid[None, None, :]) * bin_w[:, None, None]  # [R,pw,g]
    yy_b = yy[:, :, None, :, None]  # [R,ph,1,g,1]
    xx_b = xx[:, None, :, None, :]  # [R,1,pw,1,g]
    c5 = cos_t[:, None, None, None, None]
    s5 = sin_t[:, None, None, None, None]
    y = yy_b * c5 - xx_b * s5 + roi_ch[:, None, None, None, None]  # [R,ph,pw,g,g]
    x = yy_b * s5 + xx_b * c5 + roi_cw[:, None, None, None, None]
    valid = (y >= -1.0) & (y <= float(H)) & (x >= -1.0) & (x <= float(W))
    y = jnp.clip(y, 0.0)
    x = jnp.clip(x, 0.0)
    y_low = jnp.floor(y).astype(jnp.int32)
    x_low = jnp.floor(x).astype(jnp.int32)
    y_cond = y_low >= H - 1
    x_cond = x_low >= W - 1
    y_low = jnp.where(y_cond, H - 1, y_low)
    x_low = jnp.where(x_cond, W - 1, x_low)
    y_high = jnp.where(y_cond, H - 1, y_low + 1)
    x_high = jnp.where(x_cond, W - 1, x_low + 1)
    y_eff = jnp.where(y_cond, y_low.astype(jnp.float32), y)
    x_eff = jnp.where(x_cond, x_low.astype(jnp.float32), x)
    ly = y_eff - y_low.astype(jnp.float32)
    lx = x_eff - x_low.astype(jnp.float32)
    hy = 1.0 - ly
    hx = 1.0 - lx
    vmask = valid.astype(jnp.float32)
    b5 = jnp.broadcast_to(batch[:, None, None, None, None], y_low.shape)

    def gather(yi, xi):
        # advanced indices around the channel slice -> [R,ph,pw,g,g,C]
        return inp[b5, :, yi, xi]

    w1 = (hy * hx * vmask)[..., None]
    w2 = (hy * lx * vmask)[..., None]
    w3 = (ly * hx * vmask)[..., None]
    w4 = (ly * lx * vmask)[..., None]
    acc = w1 * gather(y_low, x_low)
    acc = acc + w2 * gather(y_low, x_high)
    acc = acc + w3 * gather(y_high, x_low)
    acc = acc + w4 * gather(y_high, x_high)
    out = jnp.sum(acc, axis=(3, 4)) / float(g * g)  # [R,ph,pw,C]
    return jnp.transpose(out, (0, 3, 1, 2))  # [R,C,ph,pw]


def reference(input, rois):
    return _roi_align_rotated(input, rois, SPATIAL_SCALE, OUTPUT_SIZE[0], OUTPUT_SIZE[1], SAMPLING_RATIO)

if __name__ == "__main__":
    import jax
    _d = setup_inputs()
    print(jax.jit(kernel)(*tuple(_d.values())))

</pallas_src>

<mosaic_0001>
#map = affine_map<(d0, d1) -> (0, 0)>
#map1 = affine_map<(d0, d1) -> (0, 0, 0)>
module attributes {stable_mosaic.version = 14 : i64} {
  func.func @body(%arg0: i32, %arg1: i32, %arg2: memref<80000x256xf32, #tpu.memory_space<hbm>>, %arg3: memref<1024x896xi32, #tpu.memory_space<hbm>>, %arg4: memref<1024x896xf32, #tpu.memory_space<hbm>>, %arg5: memref<1024x49x256xf32, #tpu.memory_space<hbm>>, %arg6: memref<1792xi32, #tpu.memory_space<vmem>>, %arg7: memref<1792xf32, #tpu.memory_space<vmem>>, %arg8: memref<3x112x256xf32, #tpu.memory_space<vmem>>, %arg9: memref<2x49x256xf32, #tpu.memory_space<vmem>>, %arg10: memref<!tpu.dma_semaphore, #tpu.memory_space<semaphore_mem>>, %arg11: memref<!tpu.dma_semaphore, #tpu.memory_space<semaphore_mem>>, %arg12: memref<!tpu.dma_semaphore, #tpu.memory_space<semaphore_mem>>, %arg13: memref<!tpu.dma_semaphore, #tpu.memory_space<semaphore_mem>>) attributes {dimension_semantics = [#tpu.dimension_semantics<core_parallel>, #tpu.dimension_semantics<subcore_parallel>], iteration_bounds = array<i64: 2, 16>, scalar_prefetch = 0 : i64, scratch_operands = 8 : i64, tpu.core_type = #tpu.core_type<sc_vector_subcore>, window_params = [{transform_indices = #map}, {transform_indices = #map}, {transform_indices = #map}, {transform_indices = #map1}]} {
    %mul3A = arith.constant 2 : i32
    %mul3A_0 = arith.muli %arg1, %mul3A : i32
    %add3A = arith.addi %mul3A_0, %arg0 : i32
    %mul3A_1 = arith.constant 32 : i32
    %mul3A_2 = arith.muli %add3A, %mul3A_1 : i32
    "tpu.region"() ({
      %run_scoped3A = tpu.sem_alloc : memref<!tpu.dma_semaphore, #tpu.memory_space<semaphore_mem>>
      %dma_start3A_60 = arith.constant 0 : i32
      %dma_start3A_61 = tpu.memref_slice %arg6[%dma_start3A_60] : memref<1792xi32, #tpu.memory_space<vmem>> -> memref<896xi32, #tpu.memory_space<vmem>>
      %dma_start3A_62 = arith.constant 0 : i32
      %dma_start3A_63 = tpu.memref_slice %arg3[%mul3A_2, %dma_start3A_62] : memref<1024x896xi32, #tpu.memory_space<hbm>> -> memref<1x896xi32, #tpu.memory_space<hbm>>
      %dma_start3A_64 = tpu.memref_squeeze %dma_start3A_63 : memref<1x896xi32, #tpu.memory_space<hbm>> -> memref<896xi32, #tpu.memory_space<hbm>>
      %dma_start3A_65 = arith.constant 0 : i32
      %dma_start3A_66 = tpu.memref_slice %arg6[%dma_start3A_65] : memref<1792xi32, #tpu.memory_space<vmem>> -> memref<896xi32, #tpu.memory_space<vmem>>
      %dma_start3A_67 = arith.constant 0 : i32
      %dma_start3A_68 = tpu.memref_slice %arg3[%mul3A_2, %dma_start3A_67] : memref<1024x896xi32, #tpu.memory_space<hbm>> -> memref<1x896xi32, #tpu.memory_space<hbm>>
      %dma_start3A_69 = tpu.memref_squeeze %dma_start3A_68 : memref<1x896xi32, #tpu.memory_space<hbm>> -> memref<896xi32, #tpu.memory_space<hbm>>
      tpu.enqueue_dma source(%dma_start3A_69 : memref<896xi32, #tpu.memory_space<hbm>>) target(%dma_start3A_66 : memref<896xi32, #tpu.memory_space<vmem>>) target_semaphore(%run_scoped3A : memref<!tpu.dma_semaphore, #tpu.memory_space<semaphore_mem>>)
      %dma_wait3A_70 = arith.constant 0 : i32
      %dma_wait3A_71 = tpu.memref_slice %arg6[%dma_wait3A_70] : memref<1792xi32, #tpu.memory_space<vmem>> -> memref<896xi32, #tpu.memory_space<vmem>>
      %dma_wait3A_72 = arith.constant 0 : i32
      %dma_wait3A_73 = tpu.memref_slice %arg3[%mul3A_2, %dma_wait3A_72] : memref<1024x896xi32, #tpu.memory_space<hbm>> -> memref<1x896xi32, #tpu.memory_space<hbm>>
      %dma_wait3A_74 = tpu.memref_squeeze %dma_wait3A_73 : memref<1x896xi32, #tpu.memory_space<hbm>> -> memref<896xi32, #tpu.memory_space<hbm>>
      %dma_wait3A_75 = arith.constant 0 : i32
      %dma_wait3A_76 = tpu.memref_slice %arg6[%dma_wait3A_75] : memref<1792xi32, #tpu.memory_space<vmem>> -> memref<896xi32, #tpu.memory_space<vmem>>
      %dma_wait3A_77 = arith.constant 0 : i32
      %dma_wait3A_78 = tpu.memref_slice %arg3[%mul3A_2, %dma_wait3A_77] : memref<1024x896xi32, #tpu.memory_space<hbm>> -> memref<1x896xi32, #tpu.memory_space<hbm>>
      %dma_wait3A_79 = tpu.memref_squeeze %dma_wait3A_78 : memref<1x896xi32, #tpu.memory_space<hbm>> -> memref<896xi32, #tpu.memory_space<hbm>>
      tpu.wait_dma2 semaphore(%run_scoped3A : memref<!tpu.dma_semaphore, #tpu.memory_space<semaphore_mem>>) src(%dma_wait3A_79 : memref<896xi32, #tpu.memory_space<hbm>>) dst(%dma_wait3A_76 : memref<896xi32, #tpu.memory_space<vmem>>)
      tpu.yield
    }) : () -> ()
    "tpu.region"() ({
      %run_scoped3A = tpu.sem_alloc : memref<!tpu.dma_semaphore, #tpu.memory_space<semaphore_mem>>
      %dma_start3A_60 = arith.constant 0 : i32
      %dma_start3A_61 = tpu.memref_slice %arg7[%dma_start3A_60] : memref<1792xf32, #tpu.memory_space<vmem>> -> memref<896xf32, #tpu.memory_space<vmem>>
      %dma_start3A_62 = arith.constant 0 : i32
      %dma_start3A_63 = tpu.memref_slice %arg4[%mul3A_2, %dma_start3A_62] : memref<1024x896xf32, #tpu.memory_space<hbm>> -> memref<1x896xf32, #tpu.memory_space<hbm>>
      %dma_start3A_64 = tpu.memref_squeeze %dma_start3A_63 : memref<1x896xf32, #tpu.memory_space<hbm>> -> memref<896xf32, #tpu.memory_space<hbm>>
      %dma_start3A_65 = arith.constant 0 : i32
      %dma_start3A_66 = tpu.memref_slice %arg7[%dma_start3A_65] : memref<1792xf32, #tpu.memory_space<vmem>> -> memref<896xf32, #tpu.memory_space<vmem>>
      %dma_start3A_67 = arith.constant 0 : i32
      %dma_start3A_68 = tpu.memref_slice %arg4[%mul3A_2, %dma_start3A_67] : memref<1024x896xf32, #tpu.memory_space<hbm>> -> memref<1x896xf32, #tpu.memory_space<hbm>>
      %dma_start3A_69 = tpu.memref_squeeze %dma_start3A_68 : memref<1x896xf32, #tpu.memory_space<hbm>> -> memref<896xf32, #tpu.memory_space<hbm>>
      tpu.enqueue_dma source(%dma_start3A_69 : memref<896xf32, #tpu.memory_space<hbm>>) target(%dma_start3A_66 : memref<896xf32, #tpu.memory_space<vmem>>) target_semaphore(%run_scoped3A : memref<!tpu.dma_semaphore, #tpu.memory_space<semaphore_mem>>)
      %dma_wait3A_70 = arith.constant 0 : i32
      %dma_wait3A_71 = tpu.memref_slice %arg7[%dma_wait3A_70] : memref<1792xf32, #tpu.memory_space<vmem>> -> memref<896xf32, #tpu.memory_space<vmem>>
      %dma_wait3A_72 = arith.constant 0 : i32
      %dma_wait3A_73 = tpu.memref_slice %arg4[%mul3A_2, %dma_wait3A_72] : memref<1024x896xf32, #tpu.memory_space<hbm>> -> memref<1x896xf32, #tpu.memory_space<hbm>>
      %dma_wait3A_74 = tpu.memref_squeeze %dma_wait3A_73 : memref<1x896xf32, #tpu.memory_space<hbm>> -> memref<896xf32, #tpu.memory_space<hbm>>
      %dma_wait3A_75 = arith.constant 0 : i32
      %dma_wait3A_76 = tpu.memref_slice %arg7[%dma_wait3A_75] : memref<1792xf32, #tpu.memory_space<vmem>> -> memref<896xf32, #tpu.memory_space<vmem>>
      %dma_wait3A_77 = arith.constant 0 : i32
      %dma_wait3A_78 = tpu.memref_slice %arg4[%mul3A_2, %dma_wait3A_77] : memref<1024x896xf32, #tpu.memory_space<hbm>> -> memref<1x896xf32, #tpu.memory_space<hbm>>
      %dma_wait3A_79 = tpu.memref_squeeze %dma_wait3A_78 : memref<1x896xf32, #tpu.memory_space<hbm>> -> memref<896xf32, #tpu.memory_space<hbm>>
      tpu.wait_dma2 semaphore(%run_scoped3A : memref<!tpu.dma_semaphore, #tpu.memory_space<semaphore_mem>>) src(%dma_wait3A_79 : memref<896xf32, #tpu.memory_space<hbm>>) dst(%dma_wait3A_76 : memref<896xf32, #tpu.memory_space<vmem>>)
      tpu.yield
    }) : () -> ()
    %dma_start3A = arith.constant 0 : i32
    %dma_start3A_3 = arith.constant 0 : i32
    %dma_start3A_4 = arith.constant 0 : i32
    %dma_start3A_5 = tpu.memref_slice %arg8[%dma_start3A, %dma_start3A_3, %dma_start3A_4] : memref<3x112x256xf32, #tpu.memory_space<vmem>> -> memref<1x112x256xf32, #tpu.memory_space<vmem>>
    %dma_start3A_6 = tpu.memref_squeeze %dma_start3A_5 : memref<1x112x256xf32, #tpu.memory_space<vmem>> -> memref<112x256xf32, #tpu.memory_space<vmem>>
    %dma_start3A_7 = arith.constant 0 : i32
    %dma_start3A_8 = tpu.memref_slice %arg6[%dma_start3A_7] : memref<1792xi32, #tpu.memory_space<vmem>> -> memref<112xi32, #tpu.memory_space<vmem>>
    %dma_start3A_9 = arith.constant 0 : i32
    %dma_start3A_10 = arith.constant 0 : i32
    %dma_start3A_11 = tpu.memref_slice %arg2[%dma_start3A_9, %dma_start3A_10] : memref<80000x256xf32, #tpu.memory_space<hbm>> -> memref<80000x256xf32, #tpu.memory_space<hbm>>
    tpu.enqueue_indirect_dma source(%dma_start3A_11 : memref<80000x256xf32, #tpu.memory_space<hbm>>) target(%dma_start3A_6 : memref<112x256xf32, #tpu.memory_space<vmem>>) offsets(%dma_start3A_8 : memref<112xi32, #tpu.memory_space<vmem>>) semaphore(%arg10 : memref<!tpu.dma_semaphore, #tpu.memory_space<semaphore_mem>>)
    %dma_start3A_12 = arith.constant 1 : i32
    %dma_start3A_13 = arith.constant 0 : i32
    %dma_start3A_14 = arith.constant 0 : i32
    %dma_start3A_15 = tpu.memref_slice %arg8[%dma_start3A_12, %dma_start3A_13, %dma_start3A_14] : memref<3x112x256xf32, #tpu.memory_space<vmem>> -> memref<1x112x256xf32, #tpu.memory_space<vmem>>
    %dma_start3A_16 = tpu.memref_squeeze %dma_start3A_15 : memref<1x112x256xf32, #tpu.memory_space<vmem>> -> memref<112x256xf32, #tpu.memory_space<vmem>>
    %dma_start3A_17 = arith.constant 112 : i32
    %dma_start3A_18 = tpu.memref_slice %arg6[%dma_start3A_17] : memref<1792xi32, #tpu.memory_space<vmem>> -> memref<112xi32, #tpu.memory_space<vmem>>
    %dma_start3A_19 = arith.constant 0 : i32
    %dma_start3A_20 = arith.constant 0 : i32
    %dma_start3A_21 = tpu.memref_slice %arg2[%dma_start3A_19, %dma_start3A_20] : memref<80000x256xf32, #tpu.memory_space<hbm>> -> memref<80000x256xf32, #tpu.memory_space<hbm>>
    tpu.enqueue_indirect_dma source(%dma_start3A_21 : memref<80000x256xf32, #tpu.memory_space<hbm>>) target(%dma_start3A_16 : memref<112x256xf32, #tpu.memory_space<vmem>>) offsets(%dma_start3A_18 : memref<112xi32, #tpu.memory_space<vmem>>) semaphore(%arg11 : memref<!tpu.dma_semaphore, #tpu.memory_space<semaphore_mem>>)
    %scan3A = arith.constant 0 : i32
    %scan3A_22 = arith.constant 0 : i32
    %scan3A_23 = arith.constant 32 : i32
    %scan3A_24 = arith.addi %scan3A_22, %scan3A_23 : i32
    %scan3A_25 = arith.constant 1 : i32
    scf.for %scan3A_60 = %scan3A_22 to %scan3A_24 step %scan3A_25  : i32 {
      %add3A_61 = arith.addi %mul3A_2, %scan3A_60 : i32
      %rem3A = arith.constant 2 : i32
      %rem3A_62 = arith.remsi %scan3A_60, %rem3A : i32
      %mul3A_63 = arith.constant 896 : i32
      %mul3A_64 = arith.muli %rem3A_62, %mul3A_63 : i32
      %sub3A = arith.constant 1 : i32
      %sub3A_65 = arith.subi %sub3A, %rem3A_62 : i32
      %mul3A_66 = arith.constant 896 : i32
      %mul3A_67 = arith.muli %sub3A_65, %mul3A_66 : i32
      %add3A_68 = arith.constant 1 : i32
      %add3A_69 = arith.addi %scan3A_60, %add3A_68 : i32
      %lt3A = arith.constant 32 : i32
      %lt3A_70 = arith.cmpi slt, %add3A_69, %lt3A : i32
      %convert_element_type3A = arith.extui %lt3A_70 : i1 to i32
      %cond3A = arith.constant 0 : i32
      %cond3A_71 = arith.cmpi ne, %convert_element_type3A, %cond3A : i32
      scf.if %cond3A_71 {
        %add3A_98 = arith.constant 1 : i32
        %add3A_99 = arith.addi %add3A_61, %add3A_98 : i32
        %dma_start3A_100 = tpu.memref_slice %arg6[%mul3A_67] : memref<1792xi32, #tpu.memory_space<vmem>> -> memref<896xi32, #tpu.memory_space<vmem>>
        %dma_start3A_101 = arith.constant 0 : i32
        %dma_start3A_102 = tpu.memref_slice %arg3[%add3A_99, %dma_start3A_101] : memref<1024x896xi32, #tpu.memory_space<hbm>> -> memref<1x896xi32, #tpu.memory_space<hbm>>
        %dma_start3A_103 = tpu.memref_squeeze %dma_start3A_102 : memref<1x896xi32, #tpu.memory_space<hbm>> -> memref<896xi32, #tpu.memory_space<hbm>>
        %dma_start3A_104 = tpu.memref_slice %arg6[%mul3A_67] : memref<1792xi32, #tpu.memory_space<vmem>> -> memref<896xi32, #tpu.memory_space<vmem>>
        %dma_start3A_105 = arith.constant 0 : i32
        %dma_start3A_106 = tpu.memref_slice %arg3[%add3A_99, %dma_start3A_105] : memref<1024x896xi32, #tpu.memory_space<hbm>> -> memref<1x896xi32, #tpu.memory_space<hbm>>
        %dma_start3A_107 = tpu.memref_squeeze %dma_start3A_106 : memref<1x896xi32, #tpu.memory_space<hbm>> -> memref<896xi32, #tpu.memory_space<hbm>>
        tpu.enqueue_dma source(%dma_start3A_107 : memref<896xi32, #tpu.memory_space<hbm>>) target(%dma_start3A_104 : memref<896xi32, #tpu.memory_space<vmem>>) target_semaphore(%arg13 : memref<!tpu.dma_semaphore, #tpu.memory_space<semaphore_mem>>)
        %add3A_108 = arith.constant 1 : i32
        %add3A_109 = arith.addi %add3A_61, %add3A_108 : i32
        %dma_start3A_110 = tpu.memref_slice %arg7[%mul3A_67] : memref<1792xf32, #tpu.memory_space<vmem>> -> memref<896xf32, #tpu.memory_space<vmem>>
        %dma_start3A_111 = arith.constant 0 : i32
        %dma_start3A_112 = tpu.memref_slice %arg4[%add3A_109, %dma_start3A_111] : memref<1024x896xf32, #tpu.memory_space<hbm>> -> memref<1x896xf32, #tpu.memory_space<hbm>>
        %dma_start3A_113 = tpu.memref_squeeze %dma_start3A_112 : memref<1x896xf32, #tpu.memory_space<hbm>> -> memref<896xf32, #tpu.memory_space<hbm>>
        %dma_start3A_114 = tpu.memref_slice %arg7[%mul3A_67] : memref<1792xf32, #tpu.memory_space<vmem>> -> memref<896xf32, #tpu.memory_space<vmem>>
        %dma_start3A_115 = arith.constant 0 : i32
        %dma_start3A_116 = tpu.memref_slice %arg4[%add3A_109, %dma_start3A_115] : memref<1024x896xf32, #tpu.memory_space<hbm>> -> memref<1x896xf32, #tpu.memory_space<hbm>>
        %dma_start3A_117 = tpu.memref_squeeze %dma_start3A_116 : memref<1x896xf32, #tpu.memory_space<hbm>> -> memref<896xf32, #tpu.memory_space<hbm>>
        tpu.enqueue_dma source(%dma_start3A_117 : memref<896xf32, #tpu.memory_space<hbm>>) target(%dma_start3A_114 : memref<896xf32, #tpu.memory_space<vmem>>) target_semaphore(%arg13 : memref<!tpu.dma_semaphore, #tpu.memory_space<semaphore_mem>>)
      } else {
      }
      %ge3A = arith.constant 2 : i32
      %ge3A_72 = arith.cmpi sge, %scan3A_60, %ge3A : i32
      %convert_element_type3A_73 = arith.extui %ge3A_72 : i1 to i32
      %cond3A_74 = arith.constant 0 : i32
      %cond3A_75 = arith.cmpi ne, %convert_element_type3A_73, %cond3A_74 : i32
      scf.if %cond3A_75 {
        %dma_wait3A_98 = arith.constant 0 : i32
        %dma_wait3A_99 = arith.constant 0 : i32
        %dma_wait3A_100 = tpu.memref_slice %arg9[%rem3A_62, %dma_wait3A_98, %dma_wait3A_99] : memref<2x49x256xf32, #tpu.memory_space<vmem>> -> memref<1x49x256xf32, #tpu.memory_space<vmem>>
        %dma_wait3A_101 = tpu.memref_squeeze %dma_wait3A_100 : memref<1x49x256xf32, #tpu.memory_space<vmem>> -> memref<49x256xf32, #tpu.memory_space<vmem>>
        %dma_wait3A_102 = arith.constant 0 : i32
        %dma_wait3A_103 = arith.constant 0 : i32
        %dma_wait3A_104 = tpu.memref_slice %arg5[%add3A_61, %dma_wait3A_102, %dma_wait3A_103] : memref<1024x49x256xf32, #tpu.memory_space<hbm>> -> memref<1x49x256xf32, #tpu.memory_space<hbm>>
        %dma_wait3A_105 = tpu.memref_squeeze %dma_wait3A_104 : memref<1x49x256xf32, #tpu.memory_space<hbm>> -> memref<49x256xf32, #tpu.memory_space<hbm>>
        %dma_wait3A_106 = arith.constant 0 : i32
        %dma_wait3A_107 = arith.constant 0 : i32
        %dma_wait3A_108 = tpu.memref_slice %arg5[%add3A_61, %dma_wait3A_106, %dma_wait3A_107] : memref<1024x49x256xf32, #tpu.memory_space<hbm>> -> memref<1x49x256xf32, #tpu.memory_space<hbm>>
        %dma_wait3A_109 = tpu.memref_squeeze %dma_wait3A_108 : memref<1x49x256xf32, #tpu.memory_space<hbm>> -> memref<49x256xf32, #tpu.memory_space<hbm>>
        %dma_wait3A_110 = arith.constant 0 : i32
        %dma_wait3A_111 = arith.constant 0 : i32
        %dma_wait3A_112 = tpu.memref_slice %arg9[%rem3A_62, %dma_wait3A_110, %dma_wait3A_111] : memref<2x49x256xf32, #tpu.memory_space<vmem>> -> memref<1x49x256xf32, #tpu.memory_space<vmem>>
        %dma_wait3A_113 = tpu.memref_squeeze %dma_wait3A_112 : memref<1x49x256xf32, #tpu.memory_space<vmem>> -> memref<49x256xf32, #tpu.memory_space<vmem>>
        tpu.wait_dma2 semaphore(%arg12 : memref<!tpu.dma_semaphore, #tpu.memory_space<semaphore_mem>>) src(%dma_wait3A_113 : memref<49x256xf32, #tpu.memory_space<vmem>>) dst(%dma_wait3A_109 : memref<49x256xf32, #tpu.memory_space<hbm>>)
      } else {
      }
      %scan3A_76 = arith.constant 0 : i32
      %scan3A_77 = arith.constant 0 : i32
      %scan3A_78 = arith.constant 7 : i32
      %scan3A_79 = arith.addi %scan3A_77, %scan3A_78 : i32
      %scan3A_80 = arith.constant 1 : i32
      scf.for %scan3A_98 = %scan3A_77 to %scan3A_79 step %scan3A_80  : i32 {
        %mul3A_99 = arith.constant 7 : i32
        %mul3A_100 = arith.muli %scan3A_60, %mul3A_99 : i32
        %add3A_101 = arith.addi %mul3A_100, %scan3A_98 : i32
        %rem3A_102 = arith.constant 3 : i32
        %rem3A_103 = arith.remsi %add3A_101, %rem3A_102 : i32
        %add3A_104 = arith.constant 2 : i32
        %add3A_105 = arith.addi %add3A_101, %add3A_104 : i32
        %rem3A_106 = arith.constant 3 : i32
        %rem3A_107 = arith.remsi %add3A_105, %rem3A_106 : i32
        %rem3A_108 = arith.constant 2 : i32
        %rem3A_109 = arith.remsi %add3A_101, %rem3A_108 : i32
        %eq3A = arith.constant 0 : i32
        %eq3A_110 = arith.cmpi eq, %rem3A_109, %eq3A : i32
        %convert_element_type3A_111 = arith.extui %eq3A_110 : i1 to i32
        %cond3A_112 = arith.constant 0 : i32
        %cond3A_113 = arith.cmpi ne, %convert_element_type3A_111, %cond3A_112 : i32
        scf.if %cond3A_113 {
          %dma_wait3A_148 = arith.constant 0 : i32
          %dma_wait3A_149 = arith.constant 0 : i32
          %dma_wait3A_150 = tpu.memref_slice %arg8[%rem3A_103, %dma_wait3A_148, %dma_wait3A_149] : memref<3x112x256xf32, #tpu.memory_space<vmem>> -> memref<1x112x256xf32, #tpu.memory_space<vmem>>
          %dma_wait3A_151 = tpu.memref_squeeze %dma_wait3A_150 : memref<1x112x256xf32, #tpu.memory_space<vmem>> -> memref<112x256xf32, #tpu.memory_space<vmem>>
          %dma_wait3A_152 = arith.constant 0 : i32
          %dma_wait3A_153 = tpu.memref_slice %arg6[%dma_wait3A_152] : memref<1792xi32, #tpu.memory_space<vmem>> -> memref<112xi32, #tpu.memory_space<vmem>>
          %dma_wait3A_154 = arith.constant 0 : i32
          %dma_wait3A_155 = arith.constant 0 : i32
          %dma_wait3A_156 = tpu.memref_slice %arg2[%dma_wait3A_154, %dma_wait3A_155] : memref<80000x256xf32, #tpu.memory_space<hbm>> -> memref<80000x256xf32, #tpu.memory_space<hbm>>
          tpu.wait_indirect_dma semaphore(%arg10 : memref<!tpu.dma_semaphore, #tpu.memory_space<semaphore_mem>>) src(%dma_wait3A_156 : memref<80000x256xf32, #tpu.memory_space<hbm>>) dst(%dma_wait3A_151 : memref<112x256xf32, #tpu.memory_space<vmem>>)
        } else {
        }
        %not3A = arith.constant true
        %not3A_114 = arith.xori %eq3A_110, %not3A : i1
        %convert_element_type3A_115 = arith.extui %not3A_114 : i1 to i32
        %cond3A_116 = arith.constant 0 : i32
        %cond3A_117 = arith.cmpi ne, %convert_element_type3A_115, %cond3A_116 : i32
        scf.if %cond3A_117 {
          %dma_wait3A_148 = arith.constant 0 : i32
          %dma_wait3A_149 = arith.constant 0 : i32
          %dma_wait3A_150 = tpu.memref_slice %arg8[%rem3A_103, %dma_wait3A_148, %dma_wait3A_149] : memref<3x112x256xf32, #tpu.memory_space<vmem>> -> memref<1x112x256xf32, #tpu.memory_space<vmem>>
          %dma_wait3A_151 = tpu.memref_squeeze %dma_wait3A_150 : memref<1x112x256xf32, #tpu.memory_space<vmem>> -> memref<112x256xf32, #tpu.memory_space<vmem>>
          %dma_wait3A_152 = arith.constant 0 : i32
          %dma_wait3A_153 = tpu.memref_slice %arg6[%dma_wait3A_152] : memref<1792xi32, #tpu.memory_space<vmem>> -> memref<112xi32, #tpu.memory_space<vmem>>
          %dma_wait3A_154 = arith.constant 0 : i32
          %dma_wait3A_155 = arith.constant 0 : i32
          %dma_wait3A_156 = tpu.memref_slice %arg2[%dma_wait3A_154, %dma_wait3A_155] : memref<80000x256xf32, #tpu.memory_space<hbm>> -> memref<80000x256xf32, #tpu.memory_space<hbm>>
          tpu.wait_indirect_dma semaphore(%arg11 : memref<!tpu.dma_semaphore, #tpu.memory_space<semaphore_mem>>) src(%dma_wait3A_156 : memref<80000x256xf32, #tpu.memory_space<hbm>>) dst(%dma_wait3A_151 : memref<112x256xf32, #tpu.memory_space<vmem>>)
        } else {
        }
        %lt3A_118 = arith.constant 5 : i32
        %lt3A_119 = arith.cmpi slt, %scan3A_98, %lt3A_118 : i32
        %convert_element_type3A_120 = arith.extui %lt3A_119 : i1 to i32
        %cond3A_121 = arith.constant 0 : i32
        %cond3A_122 = arith.cmpi ne, %convert_element_type3A_120, %cond3A_121 : i32
        scf.if %cond3A_122 {
          %add3A_148 = arith.constant 2 : i32
          %add3A_149 = arith.addi %scan3A_98, %add3A_148 : i32
          %mul3A_150 = arith.constant 112 : i32
          %mul3A_151 = arith.muli %add3A_149, %mul3A_150 : i32
          %add3A_152 = arith.addi %mul3A_64, %mul3A_151 : i32
          %convert_element_type3A_153 = arith.extui %eq3A_110 : i1 to i32
          %cond3A_154 = arith.constant 0 : i32
          %cond3A_155 = arith.cmpi ne, %convert_element_type3A_153, %cond3A_154 : i32
          scf.if %cond3A_155 {
            %dma_start3A_161 = arith.constant 0 : i32
            %dma_start3A_162 = arith.constant 0 : i32
            %dma_start3A_163 = tpu.memref_slice %arg8[%rem3A_107, %dma_start3A_161, %dma_start3A_162] : memref<3x112x256xf32, #tpu.memory_space<vmem>> -> memref<1x112x256xf32, #tpu.memory_space<vmem>>
            %dma_start3A_164 = tpu.memref_squeeze %dma_start3A_163 : memref<1x112x256xf32, #tpu.memory_space<vmem>> -> memref<112x256xf32, #tpu.memory_space<vmem>>
            %dma_start3A_165 = tpu.memref_slice %arg6[%add3A_152] : memref<1792xi32, #tpu.memory_space<vmem>> -> memref<112xi32, #tpu.memory_space<vmem>>
            %dma_start3A_166 = arith.constant 0 : i32
            %dma_start3A_167 = arith.constant 0 : i32
            %dma_start3A_168 = tpu.memref_slice %arg2[%dma_start3A_166, %dma_start3A_167] : memref<80000x256xf32, #tpu.memory_space<hbm>> -> memref<80000x256xf32, #tpu.memory_space<hbm>>
            tpu.enqueue_indirect_dma source(%dma_start3A_168 : memref<80000x256xf32, #tpu.memory_space<hbm>>) target(%dma_start3A_164 : memref<112x256xf32, #tpu.memory_space<vmem>>) offsets(%dma_start3A_165 : memref<112xi32, #tpu.memory_space<vmem>>) semaphore(%arg10 : memref<!tpu.dma_semaphore, #tpu.memory_space<semaphore_mem>>)
          } else {
          }
          %not3A_156 = arith.constant true
          %not3A_157 = arith.xori %eq3A_110, %not3A_156 : i1
          %convert_element_type3A_158 = arith.extui %not3A_157 : i1 to i32
          %cond3A_159 = arith.constant 0 : i32
          %cond3A_160 = arith.cmpi ne, %convert_element_type3A_158, %cond3A_159 : i32
          scf.if %cond3A_160 {
            %dma_start3A_161 = arith.constant 0 : i32
            %dma_start3A_162 = arith.constant 0 : i32
            %dma_start3A_163 = tpu.memref_slice %arg8[%rem3A_107, %dma_start3A_161, %dma_start3A_162] : memref<3x112x256xf32, #tpu.memory_space<vmem>> -> memref<1x112x256xf32, #tpu.memory_space<vmem>>
            %dma_start3A_164 = tpu.memref_squeeze %dma_start3A_163 : memref<1x112x256xf32, #tpu.memory_space<vmem>> -> memref<112x256xf32, #tpu.memory_space<vmem>>
            %dma_start3A_165 = tpu.memref_slice %arg6[%add3A_152] : memref<1792xi32, #tpu.memory_space<vmem>> -> memref<112xi32, #tpu.memory_space<vmem>>
            %dma_start3A_166 = arith.constant 0 : i32
            %dma_start3A_167 = arith.constant 0 : i32
            %dma_start3A_168 = tpu.memref_slice %arg2[%dma_start3A_166, %dma_start3A_167] : memref<80000x256xf32, #tpu.memory_space<hbm>> -> memref<80000x256xf32, #tpu.memory_space<hbm>>
            tpu.enqueue_indirect_dma source(%dma_start3A_168 : memref<80000x256xf32, #tpu.memory_space<hbm>>) target(%dma_start3A_164 : memref<112x256xf32, #tpu.memory_space<vmem>>) offsets(%dma_start3A_165 : memref<112xi32, #tpu.memory_space<vmem>>) semaphore(%arg11 : memref<!tpu.dma_semaphore, #tpu.memory_space<semaphore_mem>>)
          } else {
          }
        } else {
        }
        %eq3A_123 = arith.constant 5 : i32
        %eq3A_124 = arith.cmpi eq, %scan3A_98, %eq3A_123 : i32
        %add3A_125 = arith.constant 1 : i32
        %add3A_126 = arith.addi %scan3A_60, %add3A_125 : i32
        %lt3A_127 = arith.constant 32 : i32
        %lt3A_128 = arith.cmpi slt, %add3A_126, %lt3A_127 : i32
        %and3A = arith.andi %eq3A_124, %lt3A_128 : i1
        %convert_element_type3A_129 = arith.extui %and3A : i1 to i32
        %cond3A_130 = arith.constant 0 : i32
        %cond3A_131 = arith.cmpi ne, %convert_element_type3A_129, %cond3A_130 : i32
        scf.if %cond3A_131 {
          %add3A_148 = arith.constant 1 : i32
          %add3A_149 = arith.addi %add3A_61, %add3A_148 : i32
          %dma_wait3A_150 = tpu.memref_slice %arg6[%mul3A_67] : memref<1792xi32, #tpu.memory_space<vmem>> -> memref<896xi32, #tpu.memory_space<vmem>>
          %dma_wait3A_151 = arith.constant 0 : i32
          %dma_wait3A_152 = tpu.memref_slice %arg3[%add3A_149, %dma_wait3A_151] : memref<1024x896xi32, #tpu.memory_space<hbm>> -> memref<1x896xi32, #tpu.memory_space<hbm>>
          %dma_wait3A_153 = tpu.memref_squeeze %dma_wait3A_152 : memref<1x896xi32, #tpu.memory_space<hbm>> -> memref<896xi32, #tpu.memory_space<hbm>>
          %dma_wait3A_154 = tpu.memref_slice %arg6[%mul3A_67] : memref<1792xi32, #tpu.memory_space<vmem>> -> memref<896xi32, #tpu.memory_space<vmem>>
          %dma_wait3A_155 = arith.constant 0 : i32
          %dma_wait3A_156 = tpu.memref_slice %arg3[%add3A_149, %dma_wait3A_155] : memref<1024x896xi32, #tpu.memory_space<hbm>> -> memref<1x896xi32, #tpu.memory_space<hbm>>
          %dma_wait3A_157 = tpu.memref_squeeze %dma_wait3A_156 : memref<1x896xi32, #tpu.memory_space<hbm>> -> memref<896xi32, #tpu.memory_space<hbm>>
          tpu.wait_dma2 semaphore(%arg13 : memref<!tpu.dma_semaphore, #tpu.memory_space<semaphore_mem>>) src(%dma_wait3A_157 : memref<896xi32, #tpu.memory_space<hbm>>) dst(%dma_wait3A_154 : memref<896xi32, #tpu.memory_space<vmem>>)
          %add3A_158 = arith.constant 1 : i32
          %add3A_159 = arith.addi %add3A_61, %add3A_158 : i32
          %dma_wait3A_160 = tpu.memref_slice %arg7[%mul3A_67] : memref<1792xf32, #tpu.memory_space<vmem>> -> memref<896xf32, #tpu.memory_space<vmem>>
          %dma_wait3A_161 = arith.constant 0 : i32
          %dma_wait3A_162 = tpu.memref_slice %arg4[%add3A_159, %dma_wait3A_161] : memref<1024x896xf32, #tpu.memory_space<hbm>> -> memref<1x896xf32, #tpu.memory_space<hbm>>
          %dma_wait3A_163 = tpu.memref_squeeze %dma_wait3A_162 : memref<1x896xf32, #tpu.memory_space<hbm>> -> memref<896xf32, #tpu.memory_space<hbm>>
          %dma_wait3A_164 = tpu.memref_slice %arg7[%mul3A_67] : memref<1792xf32, #tpu.memory_space<vmem>> -> memref<896xf32, #tpu.memory_space<vmem>>
          %dma_wait3A_165 = arith.constant 0 : i32
          %dma_wait3A_166 = tpu.memref_slice %arg4[%add3A_159, %dma_wait3A_165] : memref<1024x896xf32, #tpu.memory_space<hbm>> -> memref<1x896xf32, #tpu.memory_space<hbm>>
          %dma_wait3A_167 = tpu.memref_squeeze %dma_wait3A_166 : memref<1x896xf32, #tpu.memory_space<hbm>> -> memref<896xf32, #tpu.memory_space<hbm>>
          tpu.wait_dma2 semaphore(%arg13 : memref<!tpu.dma_semaphore, #tpu.memory_space<semaphore_mem>>) src(%dma_wait3A_167 : memref<896xf32, #tpu.memory_space<hbm>>) dst(%dma_wait3A_164 : memref<896xf32, #tpu.memory_space<vmem>>)
          %convert_element_type3A_168 = arith.extui %eq3A_110 : i1 to i32
          %cond3A_169 = arith.constant 0 : i32
          %cond3A_170 = arith.cmpi ne, %convert_element_type3A_168, %cond3A_169 : i32
          scf.if %cond3A_170 {
            %dma_start3A_176 = arith.constant 0 : i32
            %dma_start3A_177 = arith.constant 0 : i32
            %dma_start3A_178 = tpu.memref_slice %arg8[%rem3A_107, %dma_start3A_176, %dma_start3A_177] : memref<3x112x256xf32, #tpu.memory_space<vmem>> -> memref<1x112x256xf32, #tpu.memory_space<vmem>>
            %dma_start3A_179 = tpu.memref_squeeze %dma_start3A_178 : memref<1x112x256xf32, #tpu.memory_space<vmem>> -> memref<112x256xf32, #tpu.memory_space<vmem>>
            %dma_start3A_180 = tpu.memref_slice %arg6[%mul3A_67] : memref<1792xi32, #tpu.memory_space<vmem>> -> memref<112xi32, #tpu.memory_space<vmem>>
            %dma_start3A_181 = arith.constant 0 : i32
            %dma_start3A_182 = arith.constant 0 : i32
            %dma_start3A_183 = tpu.memref_slice %arg2[%dma_start3A_181, %dma_start3A_182] : memref<80000x256xf32, #tpu.memory_space<hbm>> -> memref<80000x256xf32, #tpu.memory_space<hbm>>
            tpu.enqueue_indirect_dma source(%dma_start3A_183 : memref<80000x256xf32, #tpu.memory_space<hbm>>) target(%dma_start3A_179 : memref<112x256xf32, #tpu.memory_space<vmem>>) offsets(%dma_start3A_180 : memref<112xi32, #tpu.memory_space<vmem>>) semaphore(%arg10 : memref<!tpu.dma_semaphore, #tpu.memory_space<semaphore_mem>>)
          } else {
          }
          %not3A_171 = arith.constant true
          %not3A_172 = arith.xori %eq3A_110, %not3A_171 : i1
          %convert_element_type3A_173 = arith.extui %not3A_172 : i1 to i32
          %cond3A_174 = arith.constant 0 : i32
          %cond3A_175 = arith.cmpi ne, %convert_element_type3A_173, %cond3A_174 : i32
          scf.if %cond3A_175 {
            %dma_start3A_176 = arith.constant 0 : i32
            %dma_start3A_177 = arith.constant 0 : i32
            %dma_start3A_178 = tpu.memref_slice %arg8[%rem3A_107, %dma_start3A_176, %dma_start3A_177] : memref<3x112x256xf32, #tpu.memory_space<vmem>> -> memref<1x112x256xf32, #tpu.memory_space<vmem>>
            %dma_start3A_179 = tpu.memref_squeeze %dma_start3A_178 : memref<1x112x256xf32, #tpu.memory_space<vmem>> -> memref<112x256xf32, #tpu.memory_space<vmem>>
            %dma_start3A_180 = tpu.memref_slice %arg6[%mul3A_67] : memref<1792xi32, #tpu.memory_space<vmem>> -> memref<112xi32, #tpu.memory_space<vmem>>
            %dma_start3A_181 = arith.constant 0 : i32
            %dma_start3A_182 = arith.constant 0 : i32
            %dma_start3A_183 = tpu.memref_slice %arg2[%dma_start3A_181, %dma_start3A_182] : memref<80000x256xf32, #tpu.memory_space<hbm>> -> memref<80000x256xf32, #tpu.memory_space<hbm>>
            tpu.enqueue_indirect_dma source(%dma_start3A_183 : memref<80000x256xf32, #tpu.memory_space<hbm>>) target(%dma_start3A_179 : memref<112x256xf32, #tpu.memory_space<vmem>>) offsets(%dma_start3A_180 : memref<112xi32, #tpu.memory_space<vmem>>) semaphore(%arg11 : memref<!tpu.dma_semaphore, #tpu.memory_space<semaphore_mem>>)
          } else {
          }
        } else {
        }
        %eq3A_132 = arith.constant 6 : i32
        %eq3A_133 = arith.cmpi eq, %scan3A_98, %eq3A_132 : i32
        %add3A_134 = arith.constant 1 : i32
        %add3A_135 = arith.addi %scan3A_60, %add3A_134 : i32
        %lt3A_136 = arith.constant 32 : i32
        %lt3A_137 = arith.cmpi slt, %add3A_135, %lt3A_136 : i32
        %and3A_138 = arith.andi %eq3A_133, %lt3A_137 : i1
        %convert_element_type3A_139 = arith.extui %and3A_138 : i1 to i32
        %cond3A_140 = arith.constant 0 : i32
        %cond3A_141 = arith.cmpi ne, %convert_element_type3A_139, %cond3A_140 : i32
        scf.if %cond3A_141 {
          %convert_element_type3A_148 = arith.extui %eq3A_110 : i1 to i32
          %cond3A_149 = arith.constant 0 : i32
          %cond3A_150 = arith.cmpi ne, %convert_element_type3A_148, %cond3A_149 : i32
          scf.if %cond3A_150 {
            %add3A_156 = arith.constant 112 : i32
            %add3A_157 = arith.addi %mul3A_67, %add3A_156 : i32
            %dma_start3A_158 = arith.constant 0 : i32
            %dma_start3A_159 = arith.constant 0 : i32
            %dma_start3A_160 = tpu.memref_slice %arg8[%rem3A_107, %dma_start3A_158, %dma_start3A_159] : memref<3x112x256xf32, #tpu.memory_space<vmem>> -> memref<1x112x256xf32, #tpu.memory_space<vmem>>
            %dma_start3A_161 = tpu.memref_squeeze %dma_start3A_160 : memref<1x112x256xf32, #tpu.memory_space<vmem>> -> memref<112x256xf32, #tpu.memory_space<vmem>>
            %dma_start3A_162 = tpu.memref_slice %arg6[%add3A_157] : memref<1792xi32, #tpu.memory_space<vmem>> -> memref<112xi32, #tpu.memory_space<vmem>>
            %dma_start3A_163 = arith.constant 0 : i32
            %dma_start3A_164 = arith.constant 0 : i32
            %dma_start3A_165 = tpu.memref_slice %arg2[%dma_start3A_163, %dma_start3A_164] : memref<80000x256xf32, #tpu.memory_space<hbm>> -> memref<80000x256xf32, #tpu.memory_space<hbm>>
            tpu.enqueue_indirect_dma source(%dma_start3A_165 : memref<80000x256xf32, #tpu.memory_space<hbm>>) target(%dma_start3A_161 : memref<112x256xf32, #tpu.memory_space<vmem>>) offsets(%dma_start3A_162 : memref<112xi32, #tpu.memory_space<vmem>>) semaphore(%arg10 : memref<!tpu.dma_semaphore, #tpu.memory_space<semaphore_mem>>)
          } else {
          }
          %not3A_151 = arith.constant true
          %not3A_152 = arith.xori %eq3A_110, %not3A_151 : i1
          %convert_element_type3A_153 = arith.extui %not3A_152 : i1 to i32
          %cond3A_154 = arith.constant 0 : i32
          %cond3A_155 = arith.cmpi ne, %convert_element_type3A_153, %cond3A_154 : i32
          scf.if %cond3A_155 {
            %add3A_156 = arith.constant 112 : i32
            %add3A_157 = arith.addi %mul3A_67, %add3A_156 : i32
            %dma_start3A_158 = arith.constant 0 : i32
            %dma_start3A_159 = arith.constant 0 : i32
            %dma_start3A_160 = tpu.memref_slice %arg8[%rem3A_107, %dma_start3A_158, %dma_start3A_159] : memref<3x112x256xf32, #tpu.memory_space<vmem>> -> memref<1x112x256xf32, #tpu.memory_space<vmem>>
            %dma_start3A_161 = tpu.memref_squeeze %dma_start3A_160 : memref<1x112x256xf32, #tpu.memory_space<vmem>> -> memref<112x256xf32, #tpu.memory_space<vmem>>
            %dma_start3A_162 = tpu.memref_slice %arg6[%add3A_157] : memref<1792xi32, #tpu.memory_space<vmem>> -> memref<112xi32, #tpu.memory_space<vmem>>
            %dma_start3A_163 = arith.constant 0 : i32
            %dma_start3A_164 = arith.constant 0 : i32
            %dma_start3A_165 = tpu.memref_slice %arg2[%dma_start3A_163, %dma_start3A_164] : memref<80000x256xf32, #tpu.memory_space<hbm>> -> memref<80000x256xf32, #tpu.memory_space<hbm>>
            tpu.enqueue_indirect_dma source(%dma_start3A_165 : memref<80000x256xf32, #tpu.memory_space<hbm>>) target(%dma_start3A_161 : memref<112x256xf32, #tpu.memory_space<vmem>>) offsets(%dma_start3A_162 : memref<112xi32, #tpu.memory_space<vmem>>) semaphore(%arg11 : memref<!tpu.dma_semaphore, #tpu.memory_space<semaphore_mem>>)
          } else {
          }
        } else {
        }
        %scan3A_142 = arith.constant 0 : i32
        %scan3A_143 = arith.constant 0 : i32
        %scan3A_144 = arith.constant 7 : i32
        %scan3A_145 = arith.addi %scan3A_143, %scan3A_144 : i32
        %scan3A_146 = arith.constant 1 : i32
        scf.for %scan3A_148 = %scan3A_143 to %scan3A_145 step %scan3A_146  : i32 {
          %mul3A_149 = arith.constant 7 : i32
          %mul3A_150 = arith.muli %scan3A_98, %mul3A_149 : i32
          %add3A_151 = arith.addi %mul3A_150, %scan3A_148 : i32
          %mul3A_152 = arith.constant 16 : i32
          %mul3A_153 = arith.muli %add3A_151, %mul3A_152 : i32
          %add3A_154 = arith.addi %mul3A_64, %mul3A_153 : i32
          %get3A = arith.index_cast %add3A_154 : i32 to index
          %get3A_155 = tpu.vector_load %arg7[%get3A] {strides = array<i32>} : memref<1792xf32, #tpu.memory_space<vmem>>, vector<16xf32>,
          %get3A_156 = vector.shape_cast %get3A_155 : vector<16xf32> to vector<16xf32>
          %slice3A = vector.extract_strided_slice %get3A_156 {offsets = [0], sizes = [1], strides = [1]} : vector<16xf32> to vector<1xf32>
          %squeeze3A = vector.extract %slice3A[0] : f32 from vector<1xf32>
          %broadcast_in_dim3A = vector.broadcast %squeeze3A : f32 to vector<16xf32>
          %slice3A_157 = vector.extract_strided_slice %get3A_156 {offsets = [1], sizes = [1], strides = [1]} : vector<16xf32> to vector<1xf32>
          %squeeze3A_158 = vector.extract %slice3A_157[0] : f32 from vector<1xf32>
          %broadcast_in_dim3A_159 = vector.broadcast %squeeze3A_158 : f32 to vector<16xf32>
          %slice3A_160 = vector.extract_strided_slice %get3A_156 {offsets = [2], sizes = [1], strides = [1]} : vector<16xf32> to vector<1xf32>
          %squeeze3A_161 = vector.extract %slice3A_160[0] : f32 from vector<1xf32>
          %broadcast_in_dim3A_162 = vector.broadcast %squeeze3A_161 : f32 to vector<16xf32>
          %slice3A_163 = vector.extract_strided_slice %get3A_156 {offsets = [3], sizes = [1], strides = [1]} : vector<16xf32> to vector<1xf32>
          %squeeze3A_164 = vector.extract %slice3A_163[0] : f32 from vector<1xf32>
          %broadcast_in_dim3A_165 = vector.broadcast %squeeze3A_164 : f32 to vector<16xf32>
          %slice3A_166 = vector.extract_strided_slice %get3A_156 {offsets = [4], sizes = [1], strides = [1]} : vector<16xf32> to vector<1xf32>
          %squeeze3A_167 = vector.extract %slice3A_166[0] : f32 from vector<1xf32>
          %broadcast_in_dim3A_168 = vector.broadcast %squeeze3A_167 : f32 to vector<16xf32>
          %slice3A_169 = vector.extract_strided_slice %get3A_156 {offsets = [5], sizes = [1], strides = [1]} : vector<16xf32> to vector<1xf32>
          %squeeze3A_170 = vector.extract %slice3A_169[0] : f32 from vector<1xf32>
          %broadcast_in_dim3A_171 = vector.broadcast %squeeze3A_170 : f32 to vector<16xf32>
          %slice3A_172 = vector.extract_strided_slice %get3A_156 {offsets = [6], sizes = [1], strides = [1]} : vector<16xf32> to vector<1xf32>
          %squeeze3A_173 = vector.extract %slice3A_172[0] : f32 from vector<1xf32>
          %broadcast_in_dim3A_174 = vector.broadcast %squeeze3A_173 : f32 to vector<16xf32>
          %slice3A_175 = vector.extract_strided_slice %get3A_156 {offsets = [7], sizes = [1], strides = [1]} : vector<16xf32> to vector<1xf32>
          %squeeze3A_176 = vector.extract %slice3A_175[0] : f32 from vector<1xf32>
          %broadcast_in_dim3A_177 = vector.broadcast %squeeze3A_176 : f32 to vector<16xf32>
          %slice3A_178 = vector.extract_strided_slice %get3A_156 {offsets = [8], sizes = [1], strides = [1]} : vector<16xf32> to vector<1xf32>
          %squeeze3A_179 = vector.extract %slice3A_178[0] : f32 from vector<1xf32>
          %broadcast_in_dim3A_180 = vector.broadcast %squeeze3A_179 : f32 to vector<16xf32>
          %slice3A_181 = vector.extract_strided_slice %get3A_156 {offsets = [9], sizes = [1], strides = [1]} : vector<16xf32> to vector<1xf32>
          %squeeze3A_182 = vector.extract %slice3A_181[0] : f32 from vector<1xf32>
          %broadcast_in_dim3A_183 = vector.broadcast %squeeze3A_182 : f32 to vector<16xf32>
          %slice3A_184 = vector.extract_strided_slice %get3A_156 {offsets = [10], sizes = [1], strides = [1]} : vector<16xf32> to vector<1xf32>
          %squeeze3A_185 = vector.extract %slice3A_184[0] : f32 from vector<1xf32>
          %broadcast_in_dim3A_186 = vector.broadcast %squeeze3A_185 : f32 to vector<16xf32>
          %slice3A_187 = vector.extract_strided_slice %get3A_156 {offsets = [11], sizes = [1], strides = [1]} : vector<16xf32> to vector<1xf32>
          %squeeze3A_188 = vector.extract %slice3A_187[0] : f32 from vector<1xf32>
          %broadcast_in_dim3A_189 = vector.broadcast %squeeze3A_188 : f32 to vector<16xf32>
          %slice3A_190 = vector.extract_strided_slice %get3A_156 {offsets = [12], sizes = [1], strides = [1]} : vector<16xf32> to vector<1xf32>
          %squeeze3A_191 = vector.extract %slice3A_190[0] : f32 from vector<1xf32>
          %broadcast_in_dim3A_192 = vector.broadcast %squeeze3A_191 : f32 to vector<16xf32>
          %slice3A_193 = vector.extract_strided_slice %get3A_156 {offsets = [13], sizes = [1], strides = [1]} : vector<16xf32> to vector<1xf32>
          %squeeze3A_194 = vector.extract %slice3A_193[0] : f32 from vector<1xf32>
          %broadcast_in_dim3A_195 = vector.broadcast %squeeze3A_194 : f32 to vector<16xf32>
          %slice3A_196 = vector.extract_strided_slice %get3A_156 {offsets = [14], sizes = [1], strides = [1]} : vector<16xf32> to vector<1xf32>
          %squeeze3A_197 = vector.extract %slice3A_196[0] : f32 from vector<1xf32>
          %broadcast_in_dim3A_198 = vector.broadcast %squeeze3A_197 : f32 to vector<16xf32>
          %slice3A_199 = vector.extract_strided_slice %get3A_156 {offsets = [15], sizes = [1], strides = [1]} : vector<16xf32> to vector<1xf32>
          %squeeze3A_200 = vector.extract %slice3A_199[0] : f32 from vector<1xf32>
          %broadcast_in_dim3A_201 = vector.broadcast %squeeze3A_200 : f32 to vector<16xf32>
          %scan3A_202 = arith.constant 0 : i32
          %scan3A_203 = arith.constant 0 : i32
          %scan3A_204 = arith.constant 16 : i32
          %scan3A_205 = arith.addi %scan3A_203, %scan3A_204 : i32
          %scan3A_206 = arith.constant 1 : i32
          scf.for %scan3A_208 = %scan3A_203 to %scan3A_205 step %scan3A_206  : i32 {
            %mul3A_209 = arith.constant 16 : i32
            %mul3A_210 = arith.muli %scan3A_208, %mul3A_209 : i32
            %mul3A_211 = arith.constant 16 : i32
            %mul3A_212 = arith.muli %scan3A_148, %mul3A_211 : i32
            %get3A_213 = arith.index_cast %rem3A_103 : i32 to index
            %get3A_214 = arith.index_cast %mul3A_212 : i32 to index
            %get3A_215 = arith.index_cast %mul3A_210 : i32 to index
            %get3A_216 = tpu.vector_load %arg8[%get3A_213, %get3A_214, %get3A_215] {strides = array<i32>} : memref<3x112x256xf32, #tpu.memory_space<vmem>>, vector<1x1x16xf32>,
            %get3A_217 = vector.shape_cast %get3A_216 : vector<1x1x16xf32> to vector<16xf32>
            %mul3A_218 = arith.mulf %broadcast_in_dim3A, %get3A_217 : vector<16xf32>
            %mul3A_219 = arith.constant 16 : i32
            %mul3A_220 = arith.muli %scan3A_148, %mul3A_219 : i32
            %add3A_221 = arith.constant 1 : i32
            %add3A_222 = arith.addi %mul3A_220, %add3A_221 : i32
            %get3A_223 = arith.index_cast %rem3A_103 : i32 to index
            %get3A_224 = arith.index_cast %add3A_222 : i32 to index
            %get3A_225 = arith.index_cast %mul3A_210 : i32 to index
            %get3A_226 = tpu.vector_load %arg8[%get3A_223, %get3A_224, %get3A_225] {strides = array<i32>} : memref<3x112x256xf32, #tpu.memory_space<vmem>>, vector<1x1x16xf32>,
            %get3A_227 = vector.shape_cast %get3A_226 : vector<1x1x16xf32> to vector<16xf32>
            %mul3A_228 = arith.mulf %broadcast_in_dim3A_159, %get3A_227 : vector<16xf32>
            %add3A_229 = arith.addf %mul3A_218, %mul3A_228 : vector<16xf32>
            %mul3A_230 = arith.constant 16 : i32
            %mul3A_231 = arith.muli %scan3A_148, %mul3A_230 : i32
            %add3A_232 = arith.constant 2 : i32
            %add3A_233 = arith.addi %mul3A_231, %add3A_232 : i32
            %get3A_234 = arith.index_cast %rem3A_103 : i32 to index
            %get3A_235 = arith.index_cast %add3A_233 : i32 to index
            %get3A_236 = arith.index_cast %mul3A_210 : i32 to index
            %get3A_237 = tpu.vector_load %arg8[%get3A_234, %get3A_235, %get3A_236] {strides = array<i32>} : memref<3x112x256xf32, #tpu.memory_space<vmem>>, vector<1x1x16xf32>,
            %get3A_238 = vector.shape_cast %get3A_237 : vector<1x1x16xf32> to vector<16xf32>
            %mul3A_239 = arith.mulf %broadcast_in_dim3A_162, %get3A_238 : vector<16xf32>
            %add3A_240 = arith.addf %add3A_229, %mul3A_239 : vector<16xf32>
            %mul3A_241 = arith.constant 16 : i32
            %mul3A_242 = arith.muli %scan3A_148, %mul3A_241 : i32
            %add3A_243 = arith.constant 3 : i32
            %add3A_244 = arith.addi %mul3A_242, %add3A_243 : i32
            %get3A_245 = arith.index_cast %rem3A_103 : i32 to index
            %get3A_246 = arith.index_cast %add3A_244 : i32 to index
            %get3A_247 = arith.index_cast %mul3A_210 : i32 to index
            %get3A_248 = tpu.vector_load %arg8[%get3A_245, %get3A_246, %get3A_247] {strides = array<i32>} : memref<3x112x256xf32, #tpu.memory_space<vmem>>, vector<1x1x16xf32>,
            %get3A_249 = vector.shape_cast %get3A_248 : vector<1x1x16xf32> to vector<16xf32>
            %mul3A_250 = arith.mulf %broadcast_in_dim3A_165, %get3A_249 : vector<16xf32>
            %add3A_251 = arith.addf %add3A_240, %mul3A_250 : vector<16xf32>
            %mul3A_252 = arith.constant 16 : i32
            %mul3A_253 = arith.muli %scan3A_148, %mul3A_252 : i32
            %add3A_254 = arith.constant 4 : i32
            %add3A_255 = arith.addi %mul3A_253, %add3A_254 : i32
            %get3A_256 = arith.index_cast %rem3A_103 : i32 to index
            %get3A_257 = arith.index_cast %add3A_255 : i32 to index
            %get3A_258 = arith.index_cast %mul3A_210 : i32 to index
            %get3A_259 = tpu.vector_load %arg8[%get3A_256, %get3A_257, %get3A_258] {strides = array<i32>} : memref<3x112x256xf32, #tpu.memory_space<vmem>>, vector<1x1x16xf32>,
            %get3A_260 = vector.shape_cast %get3A_259 : vector<1x1x16xf32> to vector<16xf32>
            %mul3A_261 = arith.mulf %broadcast_in_dim3A_168, %get3A_260 : vector<16xf32>
            %add3A_262 = arith.addf %add3A_251, %mul3A_261 : vector<16xf32>
            %mul3A_263 = arith.constant 16 : i32
            %mul3A_264 = arith.muli %scan3A_148, %mul3A_263 : i32
            %add3A_265 = arith.constant 5 : i32
            %add3A_266 = arith.addi %mul3A_264, %add3A_265 : i32
            %get3A_267 = arith.index_cast %rem3A_103 : i32 to index
            %get3A_268 = arith.index_cast %add3A_266 : i32 to index
            %get3A_269 = arith.index_cast %mul3A_210 : i32 to index
            %get3A_270 = tpu.vector_load %arg8[%get3A_267, %get3A_268, %get3A_269] {strides = array<i32>} : memref<3x112x256xf32, #tpu.memory_space<vmem>>, vector<1x1x16xf32>,
            %get3A_271 = vector.shape_cast %get3A_270 : vector<1x1x16xf32> to vector<16xf32>
            %mul3A_272 = arith.mulf %broadcast_in_dim3A_171, %get3A_271 : vector<16xf32>
            %add3A_273 = arith.addf %add3A_262, %mul3A_272 : vector<16xf32>
            %mul3A_274 = arith.constant 16 : i32
            %mul3A_275 = arith.muli %scan3A_148, %mul3A_274 : i32
            %add3A_276 = arith.constant 6 : i32
            %add3A_277 = arith.addi %mul3A_275, %add3A_276 : i32
            %get3A_278 = arith.index_cast %rem3A_103 : i32 to index
            %get3A_279 = arith.index_cast %add3A_277 : i32 to index
            %get3A_280 = arith.index_cast %mul3A_210 : i32 to index
            %get3A_281 = tpu.vector_load %arg8[%get3A_278, %get3A_279, %get3A_280] {strides = array<i32>} : memref<3x112x256xf32, #tpu.memory_space<vmem>>, vector<1x1x16xf32>,
            %get3A_282 = vector.shape_cast %get3A_281 : vector<1x1x16xf32> to vector<16xf32>
            %mul3A_283 = arith.mulf %broadcast_in_dim3A_174, %get3A_282 : vector<16xf32>
            %add3A_284 = arith.addf %add3A_273, %mul3A_283 : vector<16xf32>
            %mul3A_285 = arith.constant 16 : i32
            %mul3A_286 = arith.muli %scan3A_148, %mul3A_285 : i32
            %add3A_287 = arith.constant 7 : i32
            %add3A_288 = arith.addi %mul3A_286, %add3A_287 : i32
            %get3A_289 = arith.index_cast %rem3A_103 : i32 to index
            %get3A_290 = arith.index_cast %add3A_288 : i32 to index
            %get3A_291 = arith.index_cast %mul3A_210 : i32 to index
            %get3A_292 = tpu.vector_load %arg8[%get3A_289, %get3A_290, %get3A_291] {strides = array<i32>} : memref<3x112x256xf32, #tpu.memory_space<vmem>>, vector<1x1x16xf32>,
            %get3A_293 = vector.shape_cast %get3A_292 : vector<1x1x16xf32> to vector<16xf32>
            %mul3A_294 = arith.mulf %broadcast_in_dim3A_177, %get3A_293 : vector<16xf32>
            %add3A_295 = arith.addf %add3A_284, %mul3A_294 : vector<16xf32>
            %mul3A_296 = arith.constant 16 : i32
            %mul3A_297 = arith.muli %scan3A_148, %mul3A_296 : i32
            %add3A_298 = arith.constant 8 : i32
            %add3A_299 = arith.addi %mul3A_297, %add3A_298 : i32
            %get3A_300 = arith.index_cast %rem3A_103 : i32 to index
            %get3A_301 = arith.index_cast %add3A_299 : i32 to index
            %get3A_302 = arith.index_cast %mul3A_210 : i32 to index
            %get3A_303 = tpu.vector_load %arg8[%get3A_300, %get3A_301, %get3A_302] {strides = array<i32>} : memref<3x112x256xf32, #tpu.memory_space<vmem>>, vector<1x1x16xf32>,
            %get3A_304 = vector.shape_cast %get3A_303 : vector<1x1x16xf32> to vector<16xf32>
            %mul3A_305 = arith.mulf %broadcast_in_dim3A_180, %get3A_304 : vector<16xf32>
            %add3A_306 = arith.addf %add3A_295, %mul3A_305 : vector<16xf32>
            %mul3A_307 = arith.constant 16 : i32
            %mul3A_308 = arith.muli %scan3A_148, %mul3A_307 : i32
            %add3A_309 = arith.constant 9 : i32
            %add3A_310 = arith.addi %mul3A_308, %add3A_309 : i32
            %get3A_311 = arith.index_cast %rem3A_103 : i32 to index
            %get3A_312 = arith.index_cast %add3A_310 : i32 to index
            %get3A_313 = arith.index_cast %mul3A_210 : i32 to index
            %get3A_314 = tpu.vector_load %arg8[%get3A_311, %get3A_312, %get3A_313] {strides = array<i32>} : memref<3x112x256xf32, #tpu.memory_space<vmem>>, vector<1x1x16xf32>,
            %get3A_315 = vector.shape_cast %get3A_314 : vector<1x1x16xf32> to vector<16xf32>
            %mul3A_316 = arith.mulf %broadcast_in_dim3A_183, %get3A_315 : vector<16xf32>
            %add3A_317 = arith.addf %add3A_306, %mul3A_316 : vector<16xf32>
            %mul3A_318 = arith.constant 16 : i32
            %mul3A_319 = arith.muli %scan3A_148, %mul3A_318 : i32
            %add3A_320 = arith.constant 10 : i32
            %add3A_321 = arith.addi %mul3A_319, %add3A_320 : i32
            %get3A_322 = arith.index_cast %rem3A_103 : i32 to index
            %get3A_323 = arith.index_cast %add3A_321 : i32 to index
            %get3A_324 = arith.index_cast %mul3A_210 : i32 to index
            %get3A_325 = tpu.vector_load %arg8[%get3A_322, %get3A_323, %get3A_324] {strides = array<i32>} : memref<3x112x256xf32, #tpu.memory_space<vmem>>, vector<1x1x16xf32>,
            %get3A_326 = vector.shape_cast %get3A_325 : vector<1x1x16xf32> to vector<16xf32>
            %mul3A_327 = arith.mulf %broadcast_in_dim3A_186, %get3A_326 : vector<16xf32>
            %add3A_328 = arith.addf %add3A_317, %mul3A_327 : vector<16xf32>
            %mul3A_329 = arith.constant 16 : i32
            %mul3A_330 = arith.muli %scan3A_148, %mul3A_329 : i32
            %add3A_331 = arith.constant 11 : i32
            %add3A_332 = arith.addi %mul3A_330, %add3A_331 : i32
            %get3A_333 = arith.index_cast %rem3A_103 : i32 to index
            %get3A_334 = arith.index_cast %add3A_332 : i32 to index
            %get3A_335 = arith.index_cast %mul3A_210 : i32 to index
            %get3A_336 = tpu.vector_load %arg8[%get3A_333, %get3A_334, %get3A_335] {strides = array<i32>} : memref<3x112x256xf32, #tpu.memory_space<vmem>>, vector<1x1x16xf32>,
            %get3A_337 = vector.shape_cast %get3A_336 : vector<1x1x16xf32> to vector<16xf32>
            %mul3A_338 = arith.mulf %broadcast_in_dim3A_189, %get3A_337 : vector<16xf32>
            %add3A_339 = arith.addf %add3A_328, %mul3A_338 : vector<16xf32>
            %mul3A_340 = arith.constant 16 : i32
            %mul3A_341 = arith.muli %scan3A_148, %mul3A_340 : i32
            %add3A_342 = arith.constant 12 : i32
            %add3A_343 = arith.addi %mul3A_341, %add3A_342 : i32
            %get3A_344 = arith.index_cast %rem3A_103 : i32 to index
            %get3A_345 = arith.index_cast %add3A_343 : i32 to index
            %get3A_346 = arith.index_cast %mul3A_210 : i32 to index
            %get3A_347 = tpu.vector_load %arg8[%get3A_344, %get3A_345, %get3A_346] {strides = array<i32>} : memref<3x112x256xf32, #tpu.memory_space<vmem>>, vector<1x1x16xf32>,
            %get3A_348 = vector.shape_cast %get3A_347 : vector<1x1x16xf32> to vector<16xf32>
            %mul3A_349 = arith.mulf %broadcast_in_dim3A_192, %get3A_348 : vector<16xf32>
            %add3A_350 = arith.addf %add3A_339, %mul3A_349 : vector<16xf32>
            %mul3A_351 = arith.constant 16 : i32
            %mul3A_352 = arith.muli %scan3A_148, %mul3A_351 : i32
            %add3A_353 = arith.constant 13 : i32
            %add3A_354 = arith.addi %mul3A_352, %add3A_353 : i32
            %get3A_355 = arith.index_cast %rem3A_103 : i32 to index
            %get3A_356 = arith.index_cast %add3A_354 : i32 to index
            %get3A_357 = arith.index_cast %mul3A_210 : i32 to index
            %get3A_358 = tpu.vector_load %arg8[%get3A_355, %get3A_356, %get3A_357] {strides = array<i32>} : memref<3x112x256xf32, #tpu.memory_space<vmem>>, vector<1x1x16xf32>,
            %get3A_359 = vector.shape_cast %get3A_358 : vector<1x1x16xf32> to vector<16xf32>
            %mul3A_360 = arith.mulf %broadcast_in_dim3A_195, %get3A_359 : vector<16xf32>
            %add3A_361 = arith.addf %add3A_350, %mul3A_360 : vector<16xf32>
            %mul3A_362 = arith.constant 16 : i32
            %mul3A_363 = arith.muli %scan3A_148, %mul3A_362 : i32
            %add3A_364 = arith.constant 14 : i32
            %add3A_365 = arith.addi %mul3A_363, %add3A_364 : i32
            %get3A_366 = arith.index_cast %rem3A_103 : i32 to index
            %get3A_367 = arith.index_cast %add3A_365 : i32 to index
            %get3A_368 = arith.index_cast %mul3A_210 : i32 to index
            %get3A_369 = tpu.vector_load %arg8[%get3A_366, %get3A_367, %get3A_368] {strides = array<i32>} : memref<3x112x256xf32, #tpu.memory_space<vmem>>, vector<1x1x16xf32>,
            %get3A_370 = vector.shape_cast %get3A_369 : vector<1x1x16xf32> to vector<16xf32>
            %mul3A_371 = arith.mulf %broadcast_in_dim3A_198, %get3A_370 : vector<16xf32>
            %add3A_372 = arith.addf %add3A_361, %mul3A_371 : vector<16xf32>
            %mul3A_373 = arith.constant 16 : i32
            %mul3A_374 = arith.muli %scan3A_148, %mul3A_373 : i32
            %add3A_375 = arith.constant 15 : i32
            %add3A_376 = arith.addi %mul3A_374, %add3A_375 : i32
            %get3A_377 = arith.index_cast %rem3A_103 : i32 to index
            %get3A_378 = arith.index_cast %add3A_376 : i32 to index
            %get3A_379 = arith.index_cast %mul3A_210 : i32 to index
            %get3A_380 = tpu.vector_load %arg8[%get3A_377, %get3A_378, %get3A_379] {strides = array<i32>} : memref<3x112x256xf32, #tpu.memory_space<vmem>>, vector<1x1x16xf32>,
            %get3A_381 = vector.shape_cast %get3A_380 : vector<1x1x16xf32> to vector<16xf32>
            %mul3A_382 = arith.mulf %broadcast_in_dim3A_201, %get3A_381 : vector<16xf32>
            %add3A_383 = arith.addf %add3A_372, %mul3A_382 : vector<16xf32>
            %swap3A = arith.index_cast %rem3A_62 : i32 to index
            %swap3A_384 = arith.index_cast %add3A_151 : i32 to index
            %swap3A_385 = arith.index_cast %mul3A_210 : i32 to index
            %swap3A_386 = tpu.vector_load %arg9[%swap3A, %swap3A_384, %swap3A_385] {strides = array<i32>} : memref<2x49x256xf32, #tpu.memory_space<vmem>>, vector<1x1x16xf32>,
            %swap3A_387 = vector.shape_cast %swap3A_386 : vector<1x1x16xf32> to vector<16xf32>
            %swap3A_388 = vector.shape_cast %add3A_383 : vector<16xf32> to vector<1x1x16xf32>
            tpu.vector_store %arg9[%swap3A, %swap3A_384, %swap3A_385], %swap3A_388 {strides = array<i32>} : memref<2x49x256xf32, #tpu.memory_space<vmem>>, vector<1x1x16xf32>,
          }
          %scan3A_207 = arith.constant 16 : i32
        }
        %scan3A_147 = arith.constant 7 : i32
      }
      %scan3A_81 = arith.constant 7 : i32
      %dma_start3A_82 = arith.constant 0 : i32
      %dma_start3A_83 = arith.constant 0 : i32
      %dma_start3A_84 = tpu.memref_slice %arg9[%rem3A_62, %dma_start3A_82, %dma_start3A_83] : memref<2x49x256xf32, #tpu.memory_space<vmem>> -> memref<1x49x256xf32, #tpu.memory_space<vmem>>
      %dma_start3A_85 = tpu.memref_squeeze %dma_start3A_84 : memref<1x49x256xf32, #tpu.memory_space<vmem>> -> memref<49x256xf32, #tpu.memory_space<vmem>>
      %dma_start3A_86 = arith.constant 0 : i32
      %dma_start3A_87 = arith.constant 0 : i32
      %dma_start3A_88 = tpu.memref_slice %arg5[%add3A_61, %dma_start3A_86, %dma_start3A_87] : memref<1024x49x256xf32, #tpu.memory_space<hbm>> -> memref<1x49x256xf32, #tpu.memory_space<hbm>>
      %dma_start3A_89 = tpu.memref_squeeze %dma_start3A_88 : memref<1x49x256xf32, #tpu.memory_space<hbm>> -> memref<49x256xf32, #tpu.memory_space<hbm>>
      %dma_start3A_90 = arith.constant 0 : i32
      %dma_start3A_91 = arith.constant 0 : i32
      %dma_start3A_92 = tpu.memref_slice %arg5[%add3A_61, %dma_start3A_90, %dma_start3A_91] : memref<1024x49x256xf32, #tpu.memory_space<hbm>> -> memref<1x49x256xf32, #tpu.memory_space<hbm>>
      %dma_start3A_93 = tpu.memref_squeeze %dma_start3A_92 : memref<1x49x256xf32, #tpu.memory_space<hbm>> -> memref<49x256xf32, #tpu.memory_space<hbm>>
      %dma_start3A_94 = arith.constant 0 : i32
      %dma_start3A_95 = arith.constant 0 : i32
      %dma_start3A_96 = tpu.memref_slice %arg9[%rem3A_62, %dma_start3A_94, %dma_start3A_95] : memref<2x49x256xf32, #tpu.memory_space<vmem>> -> memref<1x49x256xf32, #tpu.memory_space<vmem>>
      %dma_start3A_97 = tpu.memref_squeeze %dma_start3A_96 : memref<1x49x256xf32, #tpu.memory_space<vmem>> -> memref<49x256xf32, #tpu.memory_space<vmem>>
      tpu.enqueue_dma source(%dma_start3A_97 : memref<49x256xf32, #tpu.memory_space<vmem>>) target(%dma_start3A_93 : memref<49x256xf32, #tpu.memory_space<hbm>>) target_semaphore(%arg12 : memref<!tpu.dma_semaphore, #tpu.memory_space<semaphore_mem>>)
    }
    %scan3A_26 = arith.constant 32 : i32
    %dma_wait3A = arith.constant 0 : i32
    %dma_wait3A_27 = arith.constant 0 : i32
    %dma_wait3A_28 = arith.constant 0 : i32
    %dma_wait3A_29 = tpu.memref_slice %arg9[%dma_wait3A, %dma_wait3A_27, %dma_wait3A_28] : memref<2x49x256xf32, #tpu.memory_space<vmem>> -> memref<1x49x256xf32, #tpu.memory_space<vmem>>
    %dma_wait3A_30 = tpu.memref_squeeze %dma_wait3A_29 : memref<1x49x256xf32, #tpu.memory_space<vmem>> -> memref<49x256xf32, #tpu.memory_space<vmem>>
    %dma_wait3A_31 = arith.constant 0 : i32
    %dma_wait3A_32 = arith.constant 0 : i32
    %dma_wait3A_33 = tpu.memref_slice %arg5[%mul3A_2, %dma_wait3A_31, %dma_wait3A_32] : memref<1024x49x256xf32, #tpu.memory_space<hbm>> -> memref<1x49x256xf32, #tpu.memory_space<hbm>>
    %dma_wait3A_34 = tpu.memref_squeeze %dma_wait3A_33 : memref<1x49x256xf32, #tpu.memory_space<hbm>> -> memref<49x256xf32, #tpu.memory_space<hbm>>
    %dma_wait3A_35 = arith.constant 0 : i32
    %dma_wait3A_36 = arith.constant 0 : i32
    %dma_wait3A_37 = tpu.memref_slice %arg5[%mul3A_2, %dma_wait3A_35, %dma_wait3A_36] : memref<1024x49x256xf32, #tpu.memory_space<hbm>> -> memref<1x49x256xf32, #tpu.memory_space<hbm>>
    %dma_wait3A_38 = tpu.memref_squeeze %dma_wait3A_37 : memref<1x49x256xf32, #tpu.memory_space<hbm>> -> memref<49x256xf32, #tpu.memory_space<hbm>>
    %dma_wait3A_39 = arith.constant 0 : i32
    %dma_wait3A_40 = arith.constant 0 : i32
    %dma_wait3A_41 = tpu.memref_slice %arg9[%dma_wait3A, %dma_wait3A_39, %dma_wait3A_40] : memref<2x49x256xf32, #tpu.memory_space<vmem>> -> memref<1x49x256xf32, #tpu.memory_space<vmem>>
    %dma_wait3A_42 = tpu.memref_squeeze %dma_wait3A_41 : memref<1x49x256xf32, #tpu.memory_space<vmem>> -> memref<49x256xf32, #tpu.memory_space<vmem>>
    tpu.wait_dma2 semaphore(%arg12 : memref<!tpu.dma_semaphore, #tpu.memory_space<semaphore_mem>>) src(%dma_wait3A_42 : memref<49x256xf32, #tpu.memory_space<vmem>>) dst(%dma_wait3A_38 : memref<49x256xf32, #tpu.memory_space<hbm>>)
    %dma_wait3A_43 = arith.constant 1 : i32
    %dma_wait3A_44 = arith.constant 0 : i32
    %dma_wait3A_45 = arith.constant 0 : i32
    %dma_wait3A_46 = tpu.memref_slice %arg9[%dma_wait3A_43, %dma_wait3A_44, %dma_wait3A_45] : memref<2x49x256xf32, #tpu.memory_space<vmem>> -> memref<1x49x256xf32, #tpu.memory_space<vmem>>
    %dma_wait3A_47 = tpu.memref_squeeze %dma_wait3A_46 : memref<1x49x256xf32, #tpu.memory_space<vmem>> -> memref<49x256xf32, #tpu.memory_space<vmem>>
    %dma_wait3A_48 = arith.constant 0 : i32
    %dma_wait3A_49 = arith.constant 0 : i32
    %dma_wait3A_50 = tpu.memref_slice %arg5[%mul3A_2, %dma_wait3A_48, %dma_wait3A_49] : memref<1024x49x256xf32, #tpu.memory_space<hbm>> -> memref<1x49x256xf32, #tpu.memory_space<hbm>>
    %dma_wait3A_51 = tpu.memref_squeeze %dma_wait3A_50 : memref<1x49x256xf32, #tpu.memory_space<hbm>> -> memref<49x256xf32, #tpu.memory_space<hbm>>
    %dma_wait3A_52 = arith.constant 0 : i32
    %dma_wait3A_53 = arith.constant 0 : i32
    %dma_wait3A_54 = tpu.memref_slice %arg5[%mul3A_2, %dma_wait3A_52, %dma_wait3A_53] : memref<1024x49x256xf32, #tpu.memory_space<hbm>> -> memref<1x49x256xf32, #tpu.memory_space<hbm>>
    %dma_wait3A_55 = tpu.memref_squeeze %dma_wait3A_54 : memref<1x49x256xf32, #tpu.memory_space<hbm>> -> memref<49x256xf32, #tpu.memory_space<hbm>>
    %dma_wait3A_56 = arith.constant 0 : i32
    %dma_wait3A_57 = arith.constant 0 : i32
    %dma_wait3A_58 = tpu.memref_slice %arg9[%dma_wait3A_43, %dma_wait3A_56, %dma_wait3A_57] : memref<2x49x256xf32, #tpu.memory_space<vmem>> -> memref<1x49x256xf32, #tpu.memory_space<vmem>>
    %dma_wait3A_59 = tpu.memref_squeeze %dma_wait3A_58 : memref<1x49x256xf32, #tpu.memory_space<vmem>> -> memref<49x256xf32, #tpu.memory_space<vmem>>
    tpu.wait_dma2 semaphore(%arg12 : memref<!tpu.dma_semaphore, #tpu.memory_space<semaphore_mem>>) src(%dma_wait3A_59 : memref<49x256xf32, #tpu.memory_space<vmem>>) dst(%dma_wait3A_55 : memref<49x256xf32, #tpu.memory_space<hbm>>)
    return
  }
}

module attributes {stable_mosaic.version = 14 : i64} {
  func.func @_coord_kernel(%arg0: i32, %arg1: memref<2xi32, #tpu.memory_space<smem>>, %arg2: memref<128x8xf32, #tpu.memory_space<vmem>>, %arg3: memref<128x896xi32, #tpu.memory_space<vmem>>, %arg4: memref<128x896xf32, #tpu.memory_space<vmem>>) attributes {dimension_semantics = [#tpu.dimension_semantics<arbitrary>], iteration_bounds = array<i64: 8>, scalar_prefetch = 0 : i64, scratch_operands = 0 : i64, tpu.core_type = #tpu.core_type<tc>, window_params = [{transform_indices = @transform_0, window_bounds = array<i64: 2>}, {transform_indices = @transform_1, window_bounds = array<i64: 128, 8>}, {transform_indices = @transform_2, window_bounds = array<i64: 128, 896>}, {transform_indices = @transform_3, window_bounds = array<i64: 128, 896>}]} {
    %get3A = arith.constant 0 : index
    %get3A_0 = memref.load %arg1[%get3A] : memref<2xi32, #tpu.memory_space<smem>>
    %get3A_1 = arith.constant 1 : index
    %get3A_2 = memref.load %arg1[%get3A_1] : memref<2xi32, #tpu.memory_space<smem>>
    %convert_element_type3A = arith.sitofp %get3A_0 : i32 to f32
    %convert_element_type3A_3 = arith.sitofp %get3A_2 : i32 to f32
    %iota3A = tpu.iota {dimensions = array<i32: 1>} : vector<128x896xi32>
    %jit3A = arith.constant 112 : i32
    %div3A = vector.broadcast %jit3A : i32 to vector<128x896xi32>
    %div3A_4 = arith.divsi %iota3A, %div3A : vector<128x896xi32>
    %sign3A = arith.constant 0 : i32
    %sign3A_5 = vector.broadcast %sign3A : i32 to vector<128x896xi32>
    %sign3A_6 = arith.cmpi sgt, %iota3A, %sign3A_5 : vector<128x896xi32>
    %sign3A_7 = arith.extui %sign3A_6 : vector<128x896xi1> to vector<128x896xi32>
    %sign3A_8 = arith.constant 0 : i32
    %sign3A_9 = vector.broadcast %sign3A_8 : i32 to vector<128x896xi32>
    %sign3A_10 = arith.cmpi slt, %iota3A, %sign3A_9 : vector<128x896xi32>
    %sign3A_11 = arith.extui %sign3A_10 : vector<128x896xi1> to vector<128x896xi32>
    %sign3A_12 = arith.subi %sign3A_7, %sign3A_11 : vector<128x896xi32>
    %sign3A_13 = arith.constant 0 : i32
    %sign3A_14 = arith.cmpi sgt, %jit3A, %sign3A_13 : i32
    %sign3A_15 = arith.extui %sign3A_14 : i1 to i32
    %sign3A_16 = arith.constant 0 : i32
    %sign3A_17 = arith.cmpi slt, %jit3A, %sign3A_16 : i32
    %sign3A_18 = arith.extui %sign3A_17 : i1 to i32
    %sign3A_19 = arith.subi %sign3A_15, %sign3A_18 : i32
    %ne3A = vector.broadcast %sign3A_19 : i32 to vector<128x896xi32>
    %ne3A_20 = arith.cmpi ne, %sign3A_12, %ne3A : vector<128x896xi32>
    %rem3A = vector.broadcast %jit3A : i32 to vector<128x896xi32>
    %rem3A_21 = arith.remsi %iota3A, %rem3A : vector<128x896xi32>
    %ne3A_22 = arith.constant 0 : i32
    %ne3A_23 = vector.broadcast %ne3A_22 : i32 to vector<128x896xi32>
    %ne3A_24 = arith.cmpi ne, %rem3A_21, %ne3A_23 : vector<128x896xi32>
    %and3A = arith.andi %ne3A_20, %ne3A_24 : vector<128x896xi1>
    %sub3A = arith.constant 1 : i32
    %sub3A_25 = vector.broadcast %sub3A : i32 to vector<128x896xi32>
    %sub3A_26 = arith.subi %div3A_4, %sub3A_25 : vector<128x896xi32>
    %select_n3A = arith.select %and3A, %sub3A_26, %div3A_4 : vector<128x896xi1>, vector<128x896xi32>
    %convert_element_type3A_27 = arith.sitofp %select_n3A : vector<128x896xi32> to vector<128x896xf32>
    %jit3A_28 = arith.constant 16 : i32
    %div3A_29 = vector.broadcast %jit3A_28 : i32 to vector<128x896xi32>
    %div3A_30 = arith.divsi %iota3A, %div3A_29 : vector<128x896xi32>
    %sign3A_31 = arith.constant 0 : i32
    %sign3A_32 = vector.broadcast %sign3A_31 : i32 to vector<128x896xi32>
    %sign3A_33 = arith.cmpi sgt, %iota3A, %sign3A_32 : vector<128x896xi32>
    %sign3A_34 = arith.extui %sign3A_33 : vector<128x896xi1> to vector<128x896xi32>
    %sign3A_35 = arith.constant 0 : i32
    %sign3A_36 = vector.broadcast %sign3A_35 : i32 to vector<128x896xi32>
    %sign3A_37 = arith.cmpi slt, %iota3A, %sign3A_36 : vector<128x896xi32>
    %sign3A_38 = arith.extui %sign3A_37 : vector<128x896xi1> to vector<128x896xi32>
    %sign3A_39 = arith.subi %sign3A_34, %sign3A_38 : vector<128x896xi32>
    %sign3A_40 = arith.constant 0 : i32
    %sign3A_41 = arith.cmpi sgt, %jit3A_28, %sign3A_40 : i32
    %sign3A_42 = arith.extui %sign3A_41 : i1 to i32
    %sign3A_43 = arith.constant 0 : i32
    %sign3A_44 = arith.cmpi slt, %jit3A_28, %sign3A_43 : i32
    %sign3A_45 = arith.extui %sign3A_44 : i1 to i32
    %sign3A_46 = arith.subi %sign3A_42, %sign3A_45 : i32
    %ne3A_47 = vector.broadcast %sign3A_46 : i32 to vector<128x896xi32>
    %ne3A_48 = arith.cmpi ne, %sign3A_39, %ne3A_47 : vector<128x896xi32>
    %rem3A_49 = vector.broadcast %jit3A_28 : i32 to vector<128x896xi32>
    %rem3A_50 = arith.remsi %iota3A, %rem3A_49 : vector<128x896xi32>
    %ne3A_51 = arith.constant 0 : i32
    %ne3A_52 = vector.broadcast %ne3A_51 : i32 to vector<128x896xi32>
    %ne3A_53 = arith.cmpi ne, %rem3A_50, %ne3A_52 : vector<128x896xi32>
    %and3A_54 = arith.andi %ne3A_48, %ne3A_53 : vector<128x896xi1>
    %sub3A_55 = arith.constant 1 : i32
    %sub3A_56 = vector.broadcast %sub3A_55 : i32 to vector<128x896xi32>
    %sub3A_57 = arith.subi %div3A_30, %sub3A_56 : vector<128x896xi32>
    %select_n3A_58 = arith.select %and3A_54, %sub3A_57, %div3A_30 : vector<128x896xi1>, vector<128x896xi32>
    %jit3A_59 = arith.constant 7 : i32
    %eq3A = arith.constant 0 : i32
    %eq3A_60 = arith.cmpi eq, %jit3A_59, %eq3A : i32
    %jit3A_61 = arith.constant 1 : i32
    %select_n3A_62 = arith.select %eq3A_60, %jit3A_61, %jit3A_59 : i32
    %rem3A_63 = vector.broadcast %select_n3A_62 : i32 to vector<128x896xi32>
    %rem3A_64 = arith.remsi %select_n3A_58, %rem3A_63 : vector<128x896xi32>
    %ne3A_65 = arith.constant 0 : i32
    %ne3A_66 = vector.broadcast %ne3A_65 : i32 to vector<128x896xi32>
    %ne3A_67 = arith.cmpi ne, %rem3A_64, %ne3A_66 : vector<128x896xi32>
    %lt3A = arith.constant 0 : i32
    %lt3A_68 = vector.broadcast %lt3A : i32 to vector<128x896xi32>
    %lt3A_69 = arith.cmpi slt, %rem3A_64, %lt3A_68 : vector<128x896xi32>
    %lt3A_70 = arith.constant 0 : i32
    %lt3A_71 = arith.cmpi slt, %select_n3A_62, %lt3A_70 : i32
    %ne3A_72 = vector.broadcast %lt3A_71 : i1 to vector<128x896xi1>
    %ne3A_73 = vector.broadcast %ne3A_72 : vector<128x896xi1> to vector<128x896xi1>
    %ne3A_74 = arith.xori %lt3A_69, %ne3A_73 : vector<128x896xi1>
    %and3A_75 = arith.andi %ne3A_74, %ne3A_67 : vector<128x896xi1>
    %add3A = vector.broadcast %select_n3A_62 : i32 to vector<128x896xi32>
    %add3A_76 = arith.addi %rem3A_64, %add3A : vector<128x896xi32>
    %select_n3A_77 = arith.select %and3A_75, %add3A_76, %rem3A_64 : vector<128x896xi1>, vector<128x896xi32>
    %convert_element_type3A_78 = arith.sitofp %select_n3A_77 : vector<128x896xi32> to vector<128x896xf32>
    %jit3A_79 = arith.constant 8 : i32
    %div3A_80 = vector.broadcast %jit3A_79 : i32 to vector<128x896xi32>
    %div3A_81 = arith.divsi %iota3A, %div3A_80 : vector<128x896xi32>
    %sign3A_82 = arith.constant 0 : i32
    %sign3A_83 = vector.broadcast %sign3A_82 : i32 to vector<128x896xi32>
    %sign3A_84 = arith.cmpi sgt, %iota3A, %sign3A_83 : vector<128x896xi32>
    %sign3A_85 = arith.extui %sign3A_84 : vector<128x896xi1> to vector<128x896xi32>
    %sign3A_86 = arith.constant 0 : i32
    %sign3A_87 = vector.broadcast %sign3A_86 : i32 to vector<128x896xi32>
    %sign3A_88 = arith.cmpi slt, %iota3A, %sign3A_87 : vector<128x896xi32>
    %sign3A_89 = arith.extui %sign3A_88 : vector<128x896xi1> to vector<128x896xi32>
    %sign3A_90 = arith.subi %sign3A_85, %sign3A_89 : vector<128x896xi32>
    %sign3A_91 = arith.constant 0 : i32
    %sign3A_92 = arith.cmpi sgt, %jit3A_79, %sign3A_91 : i32
    %sign3A_93 = arith.extui %sign3A_92 : i1 to i32
    %sign3A_94 = arith.constant 0 : i32
    %sign3A_95 = arith.cmpi slt, %jit3A_79, %sign3A_94 : i32
    %sign3A_96 = arith.extui %sign3A_95 : i1 to i32
    %sign3A_97 = arith.subi %sign3A_93, %sign3A_96 : i32
    %ne3A_98 = vector.broadcast %sign3A_97 : i32 to vector<128x896xi32>
    %ne3A_99 = arith.cmpi ne, %sign3A_90, %ne3A_98 : vector<128x896xi32>
    %rem3A_100 = vector.broadcast %jit3A_79 : i32 to vector<128x896xi32>
    %rem3A_101 = arith.remsi %iota3A, %rem3A_100 : vector<128x896xi32>
    %ne3A_102 = arith.constant 0 : i32
    %ne3A_103 = vector.broadcast %ne3A_102 : i32 to vector<128x896xi32>
    %ne3A_104 = arith.cmpi ne, %rem3A_101, %ne3A_103 : vector<128x896xi32>
    %and3A_105 = arith.andi %ne3A_99, %ne3A_104 : vector<128x896xi1>
    %sub3A_106 = arith.constant 1 : i32
    %sub3A_107 = vector.broadcast %sub3A_106 : i32 to vector<128x896xi32>
    %sub3A_108 = arith.subi %div3A_81, %sub3A_107 : vector<128x896xi32>
    %select_n3A_109 = arith.select %and3A_105, %sub3A_108, %div3A_81 : vector<128x896xi1>, vector<128x896xi32>
    %jit3A_110 = arith.constant 2 : i32
    %eq3A_111 = arith.constant 0 : i32
    %eq3A_112 = arith.cmpi eq, %jit3A_110, %eq3A_111 : i32
    %jit3A_113 = arith.constant 1 : i32
    %select_n3A_114 = arith.select %eq3A_112, %jit3A_113, %jit3A_110 : i32
    %rem3A_115 = vector.broadcast %select_n3A_114 : i32 to vector<128x896xi32>
    %rem3A_116 = arith.remsi %select_n3A_109, %rem3A_115 : vector<128x896xi32>
    %ne3A_117 = arith.constant 0 : i32
    %ne3A_118 = vector.broadcast %ne3A_117 : i32 to vector<128x896xi32>
    %ne3A_119 = arith.cmpi ne, %rem3A_116, %ne3A_118 : vector<128x896xi32>
    %lt3A_120 = arith.constant 0 : i32
    %lt3A_121 = vector.broadcast %lt3A_120 : i32 to vector<128x896xi32>
    %lt3A_122 = arith.cmpi slt, %rem3A_116, %lt3A_121 : vector<128x896xi32>
    %lt3A_123 = arith.constant 0 : i32
    %lt3A_124 = arith.cmpi slt, %select_n3A_114, %lt3A_123 : i32
    %ne3A_125 = vector.broadcast %lt3A_124 : i1 to vector<128x896xi1>
    %ne3A_126 = vector.broadcast %ne3A_125 : vector<128x896xi1> to vector<128x896xi1>
    %ne3A_127 = arith.xori %lt3A_122, %ne3A_126 : vector<128x896xi1>
    %and3A_128 = arith.andi %ne3A_127, %ne3A_119 : vector<128x896xi1>
    %add3A_129 = vector.broadcast %select_n3A_114 : i32 to vector<128x896xi32>
    %add3A_130 = arith.addi %rem3A_116, %add3A_129 : vector<128x896xi32>
    %select_n3A_131 = arith.select %and3A_128, %add3A_130, %rem3A_116 : vector<128x896xi1>, vector<128x896xi32>
    %convert_element_type3A_132 = arith.sitofp %select_n3A_131 : vector<128x896xi32> to vector<128x896xf32>
    %jit3A_133 = arith.constant 4 : i32
    %div3A_134 = vector.broadcast %jit3A_133 : i32 to vector<128x896xi32>
    %div3A_135 = arith.divsi %iota3A, %div3A_134 : vector<128x896xi32>
    %sign3A_136 = arith.constant 0 : i32
    %sign3A_137 = vector.broadcast %sign3A_136 : i32 to vector<128x896xi32>
    %sign3A_138 = arith.cmpi sgt, %iota3A, %sign3A_137 : vector<128x896xi32>
    %sign3A_139 = arith.extui %sign3A_138 : vector<128x896xi1> to vector<128x896xi32>
    %sign3A_140 = arith.constant 0 : i32
    %sign3A_141 = vector.broadcast %sign3A_140 : i32 to vector<128x896xi32>
    %sign3A_142 = arith.cmpi slt, %iota3A, %sign3A_141 : vector<128x896xi32>
    %sign3A_143 = arith.extui %sign3A_142 : vector<128x896xi1> to vector<128x896xi32>
    %sign3A_144 = arith.subi %sign3A_139, %sign3A_143 : vector<128x896xi32>
    %sign3A_145 = arith.constant 0 : i32
    %sign3A_146 = arith.cmpi sgt, %jit3A_133, %sign3A_145 : i32
    %sign3A_147 = arith.extui %sign3A_146 : i1 to i32
    %sign3A_148 = arith.constant 0 : i32
    %sign3A_149 = arith.cmpi slt, %jit3A_133, %sign3A_148 : i32
    %sign3A_150 = arith.extui %sign3A_149 : i1 to i32
    %sign3A_151 = arith.subi %sign3A_147, %sign3A_150 : i32
    %ne3A_152 = vector.broadcast %sign3A_151 : i32 to vector<128x896xi32>
    %ne3A_153 = arith.cmpi ne, %sign3A_144, %ne3A_152 : vector<128x896xi32>
    %rem3A_154 = vector.broadcast %jit3A_133 : i32 to vector<128x896xi32>
    %rem3A_155 = arith.remsi %iota3A, %rem3A_154 : vector<128x896xi32>
    %ne3A_156 = arith.constant 0 : i32
    %ne3A_157 = vector.broadcast %ne3A_156 : i32 to vector<128x896xi32>
    %ne3A_158 = arith.cmpi ne, %rem3A_155, %ne3A_157 : vector<128x896xi32>
    %and3A_159 = arith.andi %ne3A_153, %ne3A_158 : vector<128x896xi1>
    %sub3A_160 = arith.constant 1 : i32
    %sub3A_161 = vector.broadcast %sub3A_160 : i32 to vector<128x896xi32>
    %sub3A_162 = arith.subi %div3A_135, %sub3A_161 : vector<128x896xi32>
    %select_n3A_163 = arith.select %and3A_159, %sub3A_162, %div3A_135 : vector<128x896xi1>, vector<128x896xi32>
    %jit3A_164 = arith.constant 2 : i32
    %eq3A_165 = arith.constant 0 : i32
    %eq3A_166 = arith.cmpi eq, %jit3A_164, %eq3A_165 : i32
    %jit3A_167 = arith.constant 1 : i32
    %select_n3A_168 = arith.select %eq3A_166, %jit3A_167, %jit3A_164 : i32
    %rem3A_169 = vector.broadcast %select_n3A_168 : i32 to vector<128x896xi32>
    %rem3A_170 = arith.remsi %select_n3A_163, %rem3A_169 : vector<128x896xi32>
    %ne3A_171 = arith.constant 0 : i32
    %ne3A_172 = vector.broadcast %ne3A_171 : i32 to vector<128x896xi32>
    %ne3A_173 = arith.cmpi ne, %rem3A_170, %ne3A_172 : vector<128x896xi32>
    %lt3A_174 = arith.constant 0 : i32
    %lt3A_175 = vector.broadcast %lt3A_174 : i32 to vector<128x896xi32>
    %lt3A_176 = arith.cmpi slt, %rem3A_170, %lt3A_175 : vector<128x896xi32>
    %lt3A_177 = arith.constant 0 : i32
    %lt3A_178 = arith.cmpi slt, %select_n3A_168, %lt3A_177 : i32
    %ne3A_179 = vector.broadcast %lt3A_178 : i1 to vector<128x896xi1>
    %ne3A_180 = vector.broadcast %ne3A_179 : vector<128x896xi1> to vector<128x896xi1>
    %ne3A_181 = arith.xori %lt3A_176, %ne3A_180 : vector<128x896xi1>
    %and3A_182 = arith.andi %ne3A_181, %ne3A_173 : vector<128x896xi1>
    %add3A_183 = vector.broadcast %select_n3A_168 : i32 to vector<128x896xi32>
    %add3A_184 = arith.addi %rem3A_170, %add3A_183 : vector<128x896xi32>
    %select_n3A_185 = arith.select %and3A_182, %add3A_184, %rem3A_170 : vector<128x896xi1>, vector<128x896xi32>
    %convert_element_type3A_186 = arith.sitofp %select_n3A_185 : vector<128x896xi32> to vector<128x896xf32>
    %jit3A_187 = arith.constant 2 : i32
    %div3A_188 = vector.broadcast %jit3A_187 : i32 to vector<128x896xi32>
    %div3A_189 = arith.divsi %iota3A, %div3A_188 : vector<128x896xi32>
    %sign3A_190 = arith.constant 0 : i32
    %sign3A_191 = vector.broadcast %sign3A_190 : i32 to vector<128x896xi32>
    %sign3A_192 = arith.cmpi sgt, %iota3A, %sign3A_191 : vector<128x896xi32>
    %sign3A_193 = arith.extui %sign3A_192 : vector<128x896xi1> to vector<128x896xi32>
    %sign3A_194 = arith.constant 0 : i32
    %sign3A_195 = vector.broadcast %sign3A_194 : i32 to vector<128x896xi32>
    %sign3A_196 = arith.cmpi slt, %iota3A, %sign3A_195 : vector<128x896xi32>
    %sign3A_197 = arith.extui %sign3A_196 : vector<128x896xi1> to vector<128x896xi32>
    %sign3A_198 = arith.subi %sign3A_193, %sign3A_197 : vector<128x896xi32>
    %sign3A_199 = arith.constant 0 : i32
    %sign3A_200 = arith.cmpi sgt, %jit3A_187, %sign3A_199 : i32
    %sign3A_201 = arith.extui %sign3A_200 : i1 to i32
    %sign3A_202 = arith.constant 0 : i32
    %sign3A_203 = arith.cmpi slt, %jit3A_187, %sign3A_202 : i32
    %sign3A_204 = arith.extui %sign3A_203 : i1 to i32
    %sign3A_205 = arith.subi %sign3A_201, %sign3A_204 : i32
    %ne3A_206 = vector.broadcast %sign3A_205 : i32 to vector<128x896xi32>
    %ne3A_207 = arith.cmpi ne, %sign3A_198, %ne3A_206 : vector<128x896xi32>
    %rem3A_208 = vector.broadcast %jit3A_187 : i32 to vector<128x896xi32>
    %rem3A_209 = arith.remsi %iota3A, %rem3A_208 : vector<128x896xi32>
    %ne3A_210 = arith.constant 0 : i32
    %ne3A_211 = vector.broadcast %ne3A_210 : i32 to vector<128x896xi32>
    %ne3A_212 = arith.cmpi ne, %rem3A_209, %ne3A_211 : vector<128x896xi32>
    %and3A_213 = arith.andi %ne3A_207, %ne3A_212 : vector<128x896xi1>
    %sub3A_214 = arith.constant 1 : i32
    %sub3A_215 = vector.broadcast %sub3A_214 : i32 to vector<128x896xi32>
    %sub3A_216 = arith.subi %div3A_189, %sub3A_215 : vector<128x896xi32>
    %select_n3A_217 = arith.select %and3A_213, %sub3A_216, %div3A_189 : vector<128x896xi1>, vector<128x896xi32>
    %jit3A_218 = arith.constant 2 : i32
    %eq3A_219 = arith.constant 0 : i32
    %eq3A_220 = arith.cmpi eq, %jit3A_218, %eq3A_219 : i32
    %jit3A_221 = arith.constant 1 : i32
    %select_n3A_222 = arith.select %eq3A_220, %jit3A_221, %jit3A_218 : i32
    %rem3A_223 = vector.broadcast %select_n3A_222 : i32 to vector<128x896xi32>
    %rem3A_224 = arith.remsi %select_n3A_217, %rem3A_223 : vector<128x896xi32>
    %ne3A_225 = arith.constant 0 : i32
    %ne3A_226 = vector.broadcast %ne3A_225 : i32 to vector<128x896xi32>
    %ne3A_227 = arith.cmpi ne, %rem3A_224, %ne3A_226 : vector<128x896xi32>
    %lt3A_228 = arith.constant 0 : i32
    %lt3A_229 = vector.broadcast %lt3A_228 : i32 to vector<128x896xi32>
    %lt3A_230 = arith.cmpi slt, %rem3A_224, %lt3A_229 : vector<128x896xi32>
    %lt3A_231 = arith.constant 0 : i32
    %lt3A_232 = arith.cmpi slt, %select_n3A_222, %lt3A_231 : i32
    %ne3A_233 = vector.broadcast %lt3A_232 : i1 to vector<128x896xi1>
    %ne3A_234 = vector.broadcast %ne3A_233 : vector<128x896xi1> to vector<128x896xi1>
    %ne3A_235 = arith.xori %lt3A_230, %ne3A_234 : vector<128x896xi1>
    %and3A_236 = arith.andi %ne3A_235, %ne3A_227 : vector<128x896xi1>
    %add3A_237 = vector.broadcast %select_n3A_222 : i32 to vector<128x896xi32>
    %add3A_238 = arith.addi %rem3A_224, %add3A_237 : vector<128x896xi32>
    %select_n3A_239 = arith.select %and3A_236, %add3A_238, %rem3A_224 : vector<128x896xi1>, vector<128x896xi32>
    %jit3A_240 = arith.constant 2 : i32
    %eq3A_241 = arith.constant 0 : i32
    %eq3A_242 = arith.cmpi eq, %jit3A_240, %eq3A_241 : i32
    %jit3A_243 = arith.constant 1 : i32
    %select_n3A_244 = arith.select %eq3A_242, %jit3A_243, %jit3A_240 : i32
    %rem3A_245 = vector.broadcast %select_n3A_244 : i32 to vector<128x896xi32>
    %rem3A_246 = arith.remsi %iota3A, %rem3A_245 : vector<128x896xi32>
    %ne3A_247 = arith.constant 0 : i32
    %ne3A_248 = vector.broadcast %ne3A_247 : i32 to vector<128x896xi32>
    %ne3A_249 = arith.cmpi ne, %rem3A_246, %ne3A_248 : vector<128x896xi32>
    %lt3A_250 = arith.constant 0 : i32
    %lt3A_251 = vector.broadcast %lt3A_250 : i32 to vector<128x896xi32>
    %lt3A_252 = arith.cmpi slt, %rem3A_246, %lt3A_251 : vector<128x896xi32>
    %lt3A_253 = arith.constant 0 : i32
    %lt3A_254 = arith.cmpi slt, %select_n3A_244, %lt3A_253 : i32
    %ne3A_255 = vector.broadcast %lt3A_254 : i1 to vector<128x896xi1>
    %ne3A_256 = vector.broadcast %ne3A_255 : vector<128x896xi1> to vector<128x896xi1>
    %ne3A_257 = arith.xori %lt3A_252, %ne3A_256 : vector<128x896xi1>
    %and3A_258 = arith.andi %ne3A_257, %ne3A_249 : vector<128x896xi1>
    %add3A_259 = vector.broadcast %select_n3A_244 : i32 to vector<128x896xi32>
    %add3A_260 = arith.addi %rem3A_246, %add3A_259 : vector<128x896xi32>
    %select_n3A_261 = arith.select %and3A_258, %add3A_260, %rem3A_246 : vector<128x896xi1>, vector<128x896xi32>
    %get3A_262 = arith.constant 0 : index
    %get3A_263 = arith.constant 0 : index
    %get3A_264 = vector.load %arg2[%get3A_262, %get3A_263] : memref<128x8xf32, #tpu.memory_space<vmem>>, vector<128x1xf32>
    %get3A_265 = arith.constant 0 : index
    %get3A_266 = arith.constant 1 : index
    %get3A_267 = vector.load %arg2[%get3A_265, %get3A_266] : memref<128x8xf32, #tpu.memory_space<vmem>>, vector<128x1xf32>
    %get3A_268 = arith.constant 0 : index
    %get3A_269 = arith.constant 2 : index
    %get3A_270 = vector.load %arg2[%get3A_268, %get3A_269] : memref<128x8xf32, #tpu.memory_space<vmem>>, vector<128x1xf32>
    %get3A_271 = arith.constant 0 : index
    %get3A_272 = arith.constant 3 : index
    %get3A_273 = vector.load %arg2[%get3A_271, %get3A_272] : memref<128x8xf32, #tpu.memory_space<vmem>>, vector<128x1xf32>
    %get3A_274 = arith.constant 0 : index
    %get3A_275 = arith.constant 4 : index
    %get3A_276 = vector.load %arg2[%get3A_274, %get3A_275] : memref<128x8xf32, #tpu.memory_space<vmem>>, vector<128x1xf32>
    %get3A_277 = arith.constant 0 : index
    %get3A_278 = arith.constant 5 : index
    %get3A_279 = vector.load %arg2[%get3A_277, %get3A_278] : memref<128x8xf32, #tpu.memory_space<vmem>>, vector<128x1xf32>
    %get3A_280 = arith.constant 0 : index
    %get3A_281 = arith.constant 6 : index
    %get3A_282 = vector.load %arg2[%get3A_280, %get3A_281] : memref<128x8xf32, #tpu.memory_space<vmem>>, vector<128x1xf32>
    %div3A_283 = arith.constant 7.000000e+00 : f32
    %div3A_284 = vector.broadcast %div3A_283 : f32 to vector<128x1xf32>
    %div3A_285 = arith.divf %get3A_273, %div3A_284 : vector<128x1xf32>
    %div3A_286 = arith.constant 7.000000e+00 : f32
    %div3A_287 = vector.broadcast %div3A_286 : f32 to vector<128x1xf32>
    %div3A_288 = arith.divf %get3A_270, %div3A_287 : vector<128x1xf32>
    %neg3A = arith.constant 0.000000e+00 : f32
    %neg3A_289 = vector.broadcast %neg3A : f32 to vector<128x1xf32>
    %neg3A_290 = arith.subf %neg3A_289, %get3A_273 : vector<128x1xf32>
    %div3A_291 = arith.constant 2.000000e+00 : f32
    %div3A_292 = vector.broadcast %div3A_291 : f32 to vector<128x1xf32>
    %div3A_293 = arith.divf %neg3A_290, %div3A_292 : vector<128x1xf32>
    %add3A_294 = arith.constant 5.000000e-01 : f32
    %add3A_295 = vector.broadcast %add3A_294 : f32 to vector<128x896xf32>
    %add3A_296 = arith.addf %convert_element_type3A_132, %add3A_295 : vector<128x896xf32>
    %div3A_297 = arith.constant 2.000000e+00 : f32
    %div3A_298 = vector.broadcast %div3A_297 : f32 to vector<128x896xf32>
    %div3A_299 = arith.divf %add3A_296, %div3A_298 : vector<128x896xf32>
    %add3A_300 = arith.addf %convert_element_type3A_27, %div3A_299 : vector<128x896xf32>
    %mul3A = vector.broadcast %div3A_285 : vector<128x1xf32> to vector<128x896xf32>
    %mul3A_301 = arith.mulf %add3A_300, %mul3A : vector<128x896xf32>
    %add3A_302 = vector.broadcast %div3A_293 : vector<128x1xf32> to vector<128x896xf32>
    %add3A_303 = arith.addf %add3A_302, %mul3A_301 : vector<128x896xf32>
    %neg3A_304 = arith.constant 0.000000e+00 : f32
    %neg3A_305 = vector.broadcast %neg3A_304 : f32 to vector<128x1xf32>
    %neg3A_306 = arith.subf %neg3A_305, %get3A_270 : vector<128x1xf32>
    %div3A_307 = arith.constant 2.000000e+00 : f32
    %div3A_308 = vector.broadcast %div3A_307 : f32 to vector<128x1xf32>
    %div3A_309 = arith.divf %neg3A_306, %div3A_308 : vector<128x1xf32>
    %add3A_310 = arith.constant 5.000000e-01 : f32
    %add3A_311 = vector.broadcast %add3A_310 : f32 to vector<128x896xf32>
    %add3A_312 = arith.addf %convert_element_type3A_186, %add3A_311 : vector<128x896xf32>
    %div3A_313 = arith.constant 2.000000e+00 : f32
    %div3A_314 = vector.broadcast %div3A_313 : f32 to vector<128x896xf32>
    %div3A_315 = arith.divf %add3A_312, %div3A_314 : vector<128x896xf32>
    %add3A_316 = arith.addf %convert_element_type3A_78, %div3A_315 : vector<128x896xf32>
    %mul3A_317 = vector.broadcast %div3A_288 : vector<128x1xf32> to vector<128x896xf32>
    %mul3A_318 = arith.mulf %add3A_316, %mul3A_317 : vector<128x896xf32>
    %add3A_319 = vector.broadcast %div3A_309 : vector<128x1xf32> to vector<128x896xf32>
    %add3A_320 = arith.addf %add3A_319, %mul3A_318 : vector<128x896xf32>
    %mul3A_321 = vector.broadcast %get3A_276 : vector<128x1xf32> to vector<128x896xf32>
    %mul3A_322 = arith.mulf %add3A_303, %mul3A_321 : vector<128x896xf32>
    %mul3A_323 = vector.broadcast %get3A_279 : vector<128x1xf32> to vector<128x896xf32>
    %mul3A_324 = arith.mulf %add3A_320, %mul3A_323 : vector<128x896xf32>
    %sub3A_325 = arith.subf %mul3A_322, %mul3A_324 : vector<128x896xf32>
    %add3A_326 = vector.broadcast %get3A_267 : vector<128x1xf32> to vector<128x896xf32>
    %add3A_327 = arith.addf %sub3A_325, %add3A_326 : vector<128x896xf32>
    %mul3A_328 = vector.broadcast %get3A_279 : vector<128x1xf32> to vector<128x896xf32>
    %mul3A_329 = arith.mulf %add3A_303, %mul3A_328 : vector<128x896xf32>
    %mul3A_330 = vector.broadcast %get3A_276 : vector<128x1xf32> to vector<128x896xf32>
    %mul3A_331 = arith.mulf %add3A_320, %mul3A_330 : vector<128x896xf32>
    %add3A_332 = arith.addf %mul3A_329, %mul3A_331 : vector<128x896xf32>
    %add3A_333 = vector.broadcast %get3A_264 : vector<128x1xf32> to vector<128x896xf32>
    %add3A_334 = arith.addf %add3A_332, %add3A_333 : vector<128x896xf32>
    %ge3A = arith.constant -1.000000e+00 : f32
    %ge3A_335 = vector.broadcast %ge3A : f32 to vector<128x896xf32>
    %ge3A_336 = arith.cmpf oge, %add3A_327, %ge3A_335 : vector<128x896xf32>
    %le3A = vector.broadcast %convert_element_type3A : f32 to vector<128x896xf32>
    %le3A_337 = arith.cmpf ole, %add3A_327, %le3A : vector<128x896xf32>
    %and3A_338 = arith.andi %ge3A_336, %le3A_337 : vector<128x896xi1>
    %ge3A_339 = arith.constant -1.000000e+00 : f32
    %ge3A_340 = vector.broadcast %ge3A_339 : f32 to vector<128x896xf32>
    %ge3A_341 = arith.cmpf oge, %add3A_334, %ge3A_340 : vector<128x896xf32>
    %and3A_342 = arith.andi %and3A_338, %ge3A_341 : vector<128x896xi1>
    %le3A_343 = vector.broadcast %convert_element_type3A_3 : f32 to vector<128x896xf32>
    %le3A_344 = arith.cmpf ole, %add3A_334, %le3A_343 : vector<128x896xf32>
    %and3A_345 = arith.andi %and3A_342, %le3A_344 : vector<128x896xi1>
    %max3A = arith.constant 0.000000e+00 : f32
    %max3A_346 = vector.broadcast %max3A : f32 to vector<128x896xf32>
    %max3A_347 = arith.maximumf %add3A_327, %max3A_346 : vector<128x896xf32>
    %max3A_348 = arith.constant 0.000000e+00 : f32
    %max3A_349 = vector.broadcast %max3A_348 : f32 to vector<128x896xf32>
    %max3A_350 = arith.maximumf %add3A_334, %max3A_349 : vector<128x896xf32>
    %floor3A = math.floor %max3A_347 : vector<128x896xf32>
    %floor3A_351 = math.floor %max3A_350 : vector<128x896xf32>
    %sub3A_352 = arith.constant 1.000000e+00 : f32
    %sub3A_353 = arith.subf %convert_element_type3A, %sub3A_352 : f32
    %ge3A_354 = vector.broadcast %sub3A_353 : f32 to vector<128x896xf32>
    %ge3A_355 = arith.cmpf oge, %floor3A, %ge3A_354 : vector<128x896xf32>
    %sub3A_356 = arith.constant 1.000000e+00 : f32
    %sub3A_357 = arith.subf %convert_element_type3A_3, %sub3A_356 : f32
    %ge3A_358 = vector.broadcast %sub3A_357 : f32 to vector<128x896xf32>
    %ge3A_359 = arith.cmpf oge, %floor3A_351, %ge3A_358 : vector<128x896xf32>
    %sub3A_360 = arith.constant 1.000000e+00 : f32
    %sub3A_361 = arith.subf %convert_element_type3A, %sub3A_360 : f32
    %broadcast_in_dim3A = vector.broadcast %sub3A_361 : f32 to vector<128x896xf32>
    %select_n3A_362 = arith.select %ge3A_355, %broadcast_in_dim3A, %floor3A : vector<128x896xi1>, vector<128x896xf32>
    %sub3A_363 = arith.constant 1.000000e+00 : f32
    %sub3A_364 = arith.subf %convert_element_type3A_3, %sub3A_363 : f32
    %broadcast_in_dim3A_365 = vector.broadcast %sub3A_364 : f32 to vector<128x896xf32>
    %select_n3A_366 = arith.select %ge3A_359, %broadcast_in_dim3A_365, %floor3A_351 : vector<128x896xi1>, vector<128x896xf32>
    %sub3A_367 = arith.constant 1.000000e+00 : f32
    %sub3A_368 = arith.subf %convert_element_type3A, %sub3A_367 : f32
    %add3A_369 = arith.constant 1.000000e+00 : f32
    %add3A_370 = vector.broadcast %add3A_369 : f32 to vector<128x896xf32>
    %add3A_371 = arith.addf %select_n3A_362, %add3A_370 : vector<128x896xf32>
    %broadcast_in_dim3A_372 = vector.broadcast %sub3A_368 : f32 to vector<128x896xf32>
    %select_n3A_373 = arith.select %ge3A_355, %broadcast_in_dim3A_372, %add3A_371 : vector<128x896xi1>, vector<128x896xf32>
    %sub3A_374 = arith.constant 1.000000e+00 : f32
    %sub3A_375 = arith.subf %convert_element_type3A_3, %sub3A_374 : f32
    %add3A_376 = arith.constant 1.000000e+00 : f32
    %add3A_377 = vector.broadcast %add3A_376 : f32 to vector<128x896xf32>
    %add3A_378 = arith.addf %select_n3A_366, %add3A_377 : vector<128x896xf32>
    %broadcast_in_dim3A_379 = vector.broadcast %sub3A_375 : f32 to vector<128x896xf32>
    %select_n3A_380 = arith.select %ge3A_359, %broadcast_in_dim3A_379, %add3A_378 : vector<128x896xi1>, vector<128x896xf32>
    %sub3A_381 = arith.subf %max3A_347, %select_n3A_362 : vector<128x896xf32>
    %jit3A_382 = arith.constant 0.000000e+00 : f32
    %broadcast_in_dim3A_383 = vector.broadcast %jit3A_382 : f32 to vector<128x896xf32>
    %select_n3A_384 = arith.select %ge3A_355, %broadcast_in_dim3A_383, %sub3A_381 : vector<128x896xi1>, vector<128x896xf32>
    %sub3A_385 = arith.subf %max3A_350, %select_n3A_366 : vector<128x896xf32>
    %jit3A_386 = arith.constant 0.000000e+00 : f32
    %broadcast_in_dim3A_387 = vector.broadcast %jit3A_386 : f32 to vector<128x896xf32>
    %select_n3A_388 = arith.select %ge3A_359, %broadcast_in_dim3A_387, %sub3A_385 : vector<128x896xi1>, vector<128x896xf32>
    %eq3A_389 = arith.constant 1 : i32
    %eq3A_390 = vector.broadcast %eq3A_389 : i32 to vector<128x896xi32>
    %eq3A_391 = arith.cmpi eq, %select_n3A_239, %eq3A_390 : vector<128x896xi32>
    %sub3A_392 = arith.constant 1.000000e+00 : f32
    %sub3A_393 = vector.broadcast %sub3A_392 : f32 to vector<128x896xf32>
    %sub3A_394 = arith.subf %sub3A_393, %select_n3A_384 : vector<128x896xf32>
    %select_n3A_395 = arith.select %eq3A_391, %select_n3A_384, %sub3A_394 : vector<128x896xi1>, vector<128x896xf32>
    %eq3A_396 = arith.constant 1 : i32
    %eq3A_397 = vector.broadcast %eq3A_396 : i32 to vector<128x896xi32>
    %eq3A_398 = arith.cmpi eq, %select_n3A_261, %eq3A_397 : vector<128x896xi32>
    %sub3A_399 = arith.constant 1.000000e+00 : f32
    %sub3A_400 = vector.broadcast %sub3A_399 : f32 to vector<128x896xf32>
    %sub3A_401 = arith.subf %sub3A_400, %select_n3A_388 : vector<128x896xf32>
    %select_n3A_402 = arith.select %eq3A_398, %select_n3A_388, %sub3A_401 : vector<128x896xi1>, vector<128x896xf32>
    %mul3A_403 = arith.mulf %select_n3A_395, %select_n3A_402 : vector<128x896xf32>
    %convert_element_type3A_404 = arith.extui %and3A_345 : vector<128x896xi1> to vector<128x896xi32>
    %convert_element_type3A_405 = arith.sitofp %convert_element_type3A_404 : vector<128x896xi32> to vector<128x896xf32>
    %mul3A_406 = arith.mulf %mul3A_403, %convert_element_type3A_405 : vector<128x896xf32>
    %mul3A_407 = arith.constant 2.500000e-01 : f32
    %mul3A_408 = vector.broadcast %mul3A_407 : f32 to vector<128x896xf32>
    %mul3A_409 = arith.mulf %mul3A_406, %mul3A_408 : vector<128x896xf32>
    %swap3A = arith.constant 0 : index
    %swap3A_410 = arith.constant 0 : index
    %swap3A_411 = vector.load %arg4[%swap3A, %swap3A_410] : memref<128x896xf32, #tpu.memory_space<vmem>>, vector<128x896xf32>
    tpu.vector_store %arg4[%swap3A, %swap3A_410], %mul3A_409 {strides = array<i32>} : memref<128x896xf32, #tpu.memory_space<vmem>>, vector<128x896xf32>,
    %eq3A_412 = arith.constant 1 : i32
    %eq3A_413 = vector.broadcast %eq3A_412 : i32 to vector<128x896xi32>
    %eq3A_414 = arith.cmpi eq, %select_n3A_239, %eq3A_413 : vector<128x896xi32>
    %select_n3A_415 = arith.select %eq3A_414, %select_n3A_373, %select_n3A_362 : vector<128x896xi1>, vector<128x896xf32>
    %eq3A_416 = arith.constant 1 : i32
    %eq3A_417 = vector.broadcast %eq3A_416 : i32 to vector<128x896xi32>
    %eq3A_418 = arith.cmpi eq, %select_n3A_261, %eq3A_417 : vector<128x896xi32>
    %select_n3A_419 = arith.select %eq3A_418, %select_n3A_380, %select_n3A_366 : vector<128x896xi1>, vector<128x896xf32>
    %mul3A_420 = vector.broadcast %convert_element_type3A_3 : f32 to vector<128x896xf32>
    %mul3A_421 = arith.mulf %select_n3A_415, %mul3A_420 : vector<128x896xf32>
    %add3A_422 = vector.broadcast %get3A_282 : vector<128x1xf32> to vector<128x896xf32>
    %add3A_423 = arith.addf %add3A_422, %mul3A_421 : vector<128x896xf32>
    %add3A_424 = arith.addf %add3A_423, %select_n3A_419 : vector<128x896xf32>
    %convert_element_type3A_425 = arith.fptosi %add3A_424 : vector<128x896xf32> to vector<128x896xi32>
    %swap3A_426 = arith.constant 0 : index
    %swap3A_427 = arith.constant 0 : index
    %swap3A_428 = vector.load %arg3[%swap3A_426, %swap3A_427] : memref<128x896xi32, #tpu.memory_space<vmem>>, vector<128x896xi32>
    tpu.vector_store %arg3[%swap3A_426, %swap3A_427], %convert_element_type3A_425 {strides = array<i32>} : memref<128x896xi32, #tpu.memory_space<vmem>>, vector<128x896xi32>,
    return
  }
  func.func @transform_0(%arg0: i32) -> i32 {
    %c0_i32 = arith.constant 0 : i32
    %c0_i32_0 = arith.constant 0 : i32
    return %c0_i32 : i32
  }
  func.func @transform_1(%arg0: i32) -> (i32, i32) {
    %c0_i32 = arith.constant 0 : i32
    %c0_i32_0 = arith.constant 0 : i32
    return %arg0, %c0_i32 : i32, i32
  }
  func.func @transform_2(%arg0: i32) -> (i32, i32) {
    %c0_i32 = arith.constant 0 : i32
    %c0_i32_0 = arith.constant 0 : i32
    return %arg0, %c0_i32 : i32, i32
  }
  func.func @transform_3(%arg0: i32) -> (i32, i32) {
    %c0_i32 = arith.constant 0 : i32
    %c0_i32_0 = arith.constant 0 : i32
    return %arg0, %c0_i32 : i32, i32
  }
}

</mosaic_0001>

<sc_bundles>
// kernel: kernel.4.cloned.1.call-start
scs
__scs_entry_jumppad:
0x0: {  	(pc) =	sbr.rel $0x88, $3  }
0x1: {  	(tag) =	ssettag $0x0;
	lr =	simm.s32 $0x1  }
0x2: {  	[smem:$0x3F9F] =	sst lr;
	_ =	strace $0xD0000000  }
0x3: {  	_ = 	snop  }
0x4: {  	_ = 	snop  }
0x5: {  	_ = 	snop  }
0x6: {  	_ = 	snop  }
0x7: {  	_ = 	snop  }
__scs_overlays_trampoline_lowered:
0x8: {  	[smem:$0x3FAE] =	sst s0  }
0x9: {  	[smem:$0x3FAF] =	sst s1  }
0xa: {  	[smem:$0x3FB0] =	sst s2  }
0xb: {  	[smem:$0x3FB1] =	sst s3  }
0xc: {  	[smem:$0x3FB2] =	sst s4  }
0xd: {  	[smem:$0x3FB3] =	sst s5  }
0xe: {  	[smem:$0x3FB4] =	sst s6  }
0xf: {  	[smem:$0x3FB5] =	sst s7  }
0x10: {  	[smem:$0x3FB6] =	sst s8  }
0x11: {  	[smem:$0x3FB7] =	sst s9;
	s0 =	simm.s32 @!p0 $0x0  }
0x12: {  	s1 =	sld [smem:$0x3F9D];
	s0 =	simm.s32 @p0 $0x1  }
0x13: {  	[smem:$0x3FB8] =	sst s0;
	s0 =	simm.s32 @!p1 $0x0  }
0x14: {  	s2 =	sld [smem:$0x3F9C];
	s0 =	simm.s32 @p1 $0x1  }
0x15: {  	[smem:$0x3FB9] =	sst s0;
	s0 =	simm.s32 @!p2 $0x0  }
0x16: {  	s3 =	sld [smem:$0x3FDB];
	s0 =	simm.s32 @p2 $0x1  }
0x17: {  	s4 =	simm.s32 $0x1BF5;
	[smem:$0x3FBB] =	sst s0  }
0x18: {  	s0 =	sld [smem:$0x3F9E];
	_ =	swait.ge [sflag:s4], $0x0  }
0x19: {  	s7 =	sld [smem:$0x3F9F]  }
0x1a: {  	s8 =	sadd.s32 $0xFFFFE003, lr  }
0x1b: {  	s9 =	sadd.s32 $0xFFFFFEF7, lr;
	s5 =	simm.s32 $0xFFFFFFFF;
	p2 =	slt.u32 s8, $0xFFFFF086  }
0x1c: {  	p1 =	slt.u32 s9, $0xF7A;
	s5 =	simm.s32 @!p2 $0x0  }
0x1d: {  	s5 =	simm.s32 @p1 $0x1;
	p0 =	seq.s32 s7, s2  }
0x1e: {  	s7 =	smul.u32 @!p0 $0xF7A, s2;
	p2 =	seq.s32 @!p0 s5, $0x0  }
0x1f: {  	s9 =	smul.u32 $0xF7A, s1;
	s8 =	simm.s32 @!p0 $0x1BF5;
	p2 =	por !p2, p0  }
0x20: {  	[sflag:s8] =	ssyncset.s32 @!p0 $0xFFFFF086;
	s6 =	sadd.s32 @!p0 s3, s7;
	s7 =	simm.s32 @!p0 $0x108  }
0x21: {  	s3 =	sadd.s32 s3, s9;
	s6 =	sadd.s32 @!p0 $0x88, s6;
	s7 =	simm.s32 @p2 $0x1082  }
0x22: {  	[simem:s7], [sflag:s8] =	dma.local @!p0 [hbm:s6], $0xF7A  }
0x23: {  	s9 =	sor.u32 $0xD0000000, s2;
	s6 =	simm.s32 $0x108;
	_ =	swait.ge @!p0 [sflag:s8], $0x0  }
0x24: {  	s3 =	sadd.s32 $0x88, s3;
	s6 =	simm.s32 @!p1 $0x1082;
	[sflag:s4] =	ssyncset.s32 $0xFFFFF086  }
0x25: {  	[simem:s6], [sflag:s4] =	dma.local [hbm:s3], $0xF7A  }
0x26: {  	[smem:$0x3F9F] =	sst s1;
	(tag) =	ssettag s2;
	_ =	strace s9  }
0x27: {  	s1 =	sld [smem:$0x3FAF]  }
0x28: {  	s2 =	sld [smem:$0x3FB0]  }
0x29: {  	s4 =	sld [smem:$0x3FB2]  }
0x2a: {  	p0 =	seq.s32 s5, $0x0;
	s5 =	sld [smem:$0x3FB3]  }
0x2b: {  	s6 =	sld [smem:$0x3FB4]  }
0x2c: {  	s7 =	sld [smem:$0x3FB5]  }
0x2d: {  	s3 =	simm.s32 $0x108;
	s8 =	sld [smem:$0x3FB6]  }
0x2e: {  	s3 =	simm.s32 @!p0 $0x1082;
	s9 =	sld [smem:$0x3FB7]  }
0x2f: {  	lr =	sadd.s32 s0, s3;
	s0 =	sld [smem:$0x3FAE]  }
0x30: {  	s3 =	sld [smem:$0x3FB1]  }
0x31: {  	[smem:$0x3FBA] =	sst s10  }
0x32: {  	s10 =	sld [smem:$0x3FB8];
	_ =	sdelay $0x3  }
0x33: {  	p0 =	seq.s32 s10, $0x1;
	s10 =	sld [smem:$0x3FBA];
	_ =	sdelay $0x3  }
0x34: {  	[smem:$0x3FBA] =	sst s10  }
0x35: {  	s10 =	sld [smem:$0x3FB9];
	_ =	sdelay $0x3  }
0x36: {  	p1 =	seq.s32 s10, $0x1;
	s10 =	sld [smem:$0x3FBA];
	_ =	sdelay $0x3  }
0x37: {  	[smem:$0x3FBA] =	sst s10  }
0x38: {  	s10 =	sld [smem:$0x3FBB]  }
0x39: {  	_ = 	snop;
	(pc) =	sbr.ind lr, $3  }
0x3a: {  	_ = 	snop  }
0x3b: {  	_ = 	snop  }
0x3c: {  	p2 =	seq.s32 s10, $0x1;
	s10 =	sld [smem:$0x3FBA]  }
0x3d: {  	_ =	shalt  }
0x3e: {  	_ =	shalt  }
0x3f: {  	_ =	shalt  }
0x40: {  	_ =	shalt  }
0x41: {  	_ =	shalt  }
0x42: {  	_ =	shalt  }
0x43: {  	_ =	shalt  }
0x44: {  	_ =	shalt  }
0x45: {  	_ =	shalt  }
0x46: {  	_ =	shalt  }
0x47: {  	_ =	shalt  }
0x48: {  	_ =	shalt  }
0x49: {  	_ =	shalt  }
0x4a: {  	_ =	shalt  }
0x4b: {  	_ =	shalt  }
0x4c: {  	_ =	shalt  }
0x4d: {  	_ =	shalt  }
0x4e: {  	_ =	shalt  }
0x4f: {  	_ =	shalt  }
0x50: {  	_ =	shalt  }
0x51: {  	_ =	shalt  }
0x52: {  	_ =	shalt  }
0x53: {  	_ =	shalt  }
0x54: {  	_ =	shalt  }
0x55: {  	_ =	shalt  }
0x56: {  	_ =	shalt  }
0x57: {  	_ =	shalt  }
0x58: {  	_ =	shalt  }
0x59: {  	_ =	shalt  }
0x5a: {  	_ =	shalt  }
0x5b: {  	_ =	shalt  }
0x5c: {  	_ =	shalt  }
0x5d: {  	_ =	shalt  }
0x5e: {  	_ =	shalt  }
0x5f: {  	_ =	shalt  }
0x60: {  	_ =	shalt  }
0x61: {  	_ =	shalt  }
0x62: {  	_ =	shalt  }
0x63: {  	_ =	shalt  }
0x64: {  	_ =	shalt  }
0x65: {  	_ =	shalt  }
0x66: {  	_ =	shalt  }
0x67: {  	_ =	shalt  }
0x68: {  	_ =	shalt  }
0x69: {  	_ =	shalt  }
0x6a: {  	_ =	shalt  }
0x6b: {  	_ =	shalt  }
0x6c: {  	_ =	shalt  }
0x6d: {  	_ =	shalt  }
0x6e: {  	_ =	shalt  }
0x6f: {  	_ =	shalt  }
0x70: {  	_ =	shalt  }
0x71: {  	_ =	shalt  }
0x72: {  	_ =	shalt  }
0x73: {  	_ =	shalt  }
0x74: {  	_ =	shalt  }
0x75: {  	_ =	shalt  }
0x76: {  	_ =	shalt  }
0x77: {  	_ =	shalt  }
0x78: {  	_ =	shalt  }
0x79: {  	_ =	shalt  }
0x7a: {  	_ =	shalt  }
0x7b: {  	_ =	shalt  }
0x7c: {  	_ =	shalt  }
0x7d: {  	_ =	shalt  }
0x7e: {  	_ =	shalt  }
0x7f: {  	_ =	shalt  }
0x80: {  	_ =	shalt  }
0x81: {  	_ =	shalt  }
0x82: {  	_ =	shalt  }
0x83: {  	_ =	shalt  }
0x84: {  	_ =	shalt  }
0x85: {  	_ =	shalt  }
0x86: {  	_ =	shalt  }
0x87: {  	_ =	shalt  }
.Lfunc_end0:
.L_simem_size_0:
called_computation.1_lowered:
.L_overlay_start_0:
0x88: {  	s2 =	sld [smem:$0x3FD9]  }
0x89: {  	s3 =	sld [smem:$0x3FFE];
	_ =	sdelay $0x1  }
0x8a: {  	s1 =	srdreg.scid  }
0x8b: {  	s0 =	sand.u32 $0x1, s1  }
0x8c: {  	s17 =	sshll.u32 s0, $0xA;
	s2 =	sadd.s32 s3, s2  }
0x8d: {  	s2 =	sadd.s32 s2, s17  }
0x8e: {  	[smem:$0x3FC6] =	sst s2  }
0x8f: {  	_ = 	snop  }
0x90: {  	s2 =	sld [smem:$0x3FC9]  }
0x91: {  	s18 =	sld [smem:$0x3FD0];
	(tm) =	ssettm $0x1  }
0x92: {  	s4 =	sld [smem:$0x3FFB];
	_ =	sdelay $0x3  }
0x93: {  	_ =	strace s4  }
0x94: {  	s4 =	sld [smem:$0x3FFC];
	_ =	sdelay $0x3  }
0x95: {  	_ =	strace s4  }
0x96: {  	s4 =	sld [smem:$0x3FFD];
	_ =	sdelay $0x3  }
0x97: {  	_ =	strace s4  }
0x98: {  	_ =	strace $0x8FFFFFFF  }
0x99: {  	s19 =	sld [smem:$0x3FDB];
	_ =	sdelay $0x1  }
0x9a: {  	s5 =	simm.s32 $_scs_section_size  }
0x9b: {  	s6 =	simm.s32 $_size__tile_overlayer_lowered;
	s7 =	simm.s32 $_tile_overlayer_lowered  }
0x9c: {  	s22 =	simm.s32 $0x1BFF;
	s21 =	sshll.u32 s7, $0x1;
	s4 =	sadd.s32 s5, s19  }
0x9d: {  	s8 =	simm.s32 $0x0;
	s20 =	sshll.u32 s6, $0x1;
	s6 =	sadd.s32 s21, s4  }
0x9e: {  	[timem:s8], [sflag:s22] =	dma.local [hbm:s6], s20  }
0x9f: {  	_ =	swait.ge [sflag:s22], s20  }
0xa0: {  	s5 =	ssub.s32 $0x0, s20;
	[sflag:s22] =	ssyncset.done $0x0  }
0xa1: {  	[sflag:s22] =	ssyncadd.s32 s5;
	_ =	sdelay $0x1  }
0xa2: {  	s23 =	simm.s32 $0x1B8B  }
0xa3: {  	_ =	swait.ge [sflag:s23], $0x1  }
0xa4: {  	[sflag:s23] =	ssyncset.done $0x0  }
0xa5: {  	s25 =	simm.s32 $0x1B8E;
	s24 =	sld [smem:$0x3FFE];
	[sflag:s23] =	ssyncadd.s32 $0xFFFFFFFF  }
0xa6: {  	s26 =	simm.s32 $execute0_lowered;
	[smem:$0x3FD2] =	sst s25  }
0xa7: {  	s6 =	sshll.u32 s26, $0x1;
	_ =	strace $0x80000046;
	[dreg:$0x1] =	wrdreg $0xFFFFFFFF  }
0xa8: {  	s28 =	simm.s32 $_size_execute0_lowered;
	s4 =	sadd.s32 s4, s6;
	[dreg:$0x0] =	wrdreg $0x0  }
0xa9: {  	s6 =	sshll.u32 s28, $0x1;
	[dreg:$0x2] =	wrdreg s4  }
0xaa: {  	[dreg:$0x3] =	wrdreg s6  }
0xab: {  	[dreg:$0x4] =	wrdreg $0xC0  }
0xac: {  	_ =	task [dreg:s8], $0x5FFFF  }
0xad: {  	[dreg:$0x1] =	wrdreg $0xFFFFFFFF  }
0xae: {  	[dreg:$0x0] =	wrdreg $0x60  }
0xaf: {  	[dreg:$0x2] =	wrdreg s2  }
0xb0: {  	[dreg:$0x3] =	wrdreg s18  }
0xb1: {  	[dreg:$0x4] =	wrdreg s24  }
0xb2: {  	[dreg:$0x5] =	wrdreg $0x9  }
0xb3: {  	_ =	task.clear_ibuf [dreg:s8], $0x6FFFF;
	_ =	strace $0x90000046  }
0xb4: {  	s29 =	simm.s32 $0x9;
	_ =	strace $0x80000048  }
0xb5: {  	_ =	swait.ge [sflag:s29], $0x1  }
0xb6: {  	[sflag:s29] =	ssyncadd.s32 $0xFFFFFFFF  }
0xb7: {  	_ =	strace $0x90000048  }
0xb8: {  	_ =	sfence  }
0xb9: {  	s30 =	sld [smem:$0x0];
	_ =	sdelay $0x2  }
0xba: {  	s31 =	sshll.u32 s1, $0xD;
	s1 =	sshrl.u32 s1, $0x2  }
0xbb: {  	s3 =	sand.u32 $0x4000, s31;
	s1 =	sadd.s32 s1, s30  }
0xbc: {  	s0 =	sor.u32 s3, s0;
	s1 =	sshll.u32 s1, $0x11  }
0xbd: {  	s0 =	sor.u32 s1, s0  }
0xbe: {  	s0 =	sadd.s32 $0x8F2B, s0  }
0xbf: {  	[sflag:s0] =	ssyncadd.remote.s32 $0x1  }
0xc0: {  	_ =	sfence.sel $0xFFFF  }
0xc1: {  	[dreg:$0x0] =	wrdreg $0xFFFFFFFF;
	(pc) =	sbr.abs _section_cstart, $3  }
0xc2: {  	[dreg:$0x1] =	wrdreg $0xFFFFFFFF  }
0xc3: {  	_ =	task.clear_ibuf [dreg:s8], $0x2FFFF;
	_ =	strace $0x9FFFFFFF  }
0xc4: {  	(tm) =	ssettm $0x7FFFFFFF  }
0xc5: {  	_ =	shalt  }
tec
execute0_lowered:
.L_overlay_start_1:
0x0: {  	(tag) =	ssettag $0x1  }
0x1: {  	s1 =	rddreg [dreg:$0x0]  }
0x2: {  	s0 =	srdreg.scid;
	s8 =	rddreg [dreg:$0x1]  }
0x3: {  	s2 =	stileid.u32;
	s7 =	rddreg [dreg:$0x2];
	s0 =	sand.u32 $0x1, s0  }
0x4: {  	s5 =	simm.s32 $0x0;
	s2 =	sshll.u32 s2, $0x6;
	s3 =	sshll.u32 s0, $0x5  }
0x5: {  	s25 =	simm.s32 $0x1;
	s0 =	ssub.s32 $0x2, s0;
	s4 =	sor.u32 s3, s2  }
0x6: {  	s26 =	simm.s32 $0x4;
	s30 =	sshrl.u32 s0, $0x1;
	s2 =	sshrl.u32 s4, $0x3  }
0x7: {  	s28 =	simm.s32 $0x2;
	s0 =	ssub.s32 s0, s30;
	s2 =	smul.u32 $0x380, s2  }
0x8: {  	[smem:$0x7FF] =	sst s5;
	s6 =	sadd.s32 $0x1000, s7;
	s0 =	smax.u32 s0, $0x1  }
0x9: {  	v2 =	vlaneseq.u32;
	_ =	strace $0x80000047;
	[dreg:$0x6] =	wrdreg s0;
	s31 =	sadd.s32 s8, s2  }
0xa: {  	vm0 =	vmmov $0xffff;
	s21 =	simm.s32 $0x0;
	v1 =	vshrl.u32 v2, $0x3;
	v0 =	vand.u32 $0x7, v2;
	s2 =	sadd.s32 s6, s2;
	[dreg:$0x4] =	wrdreg s31  }
0xb: {  	s7 =	sadd.s32 $0x1D000, s7;
	v2 =	vor.u32 $0x8, v2;
	v1 =	vmul.u32 $0x8, v1;
	v3 =	vor.u32 $0x8, v0;
	s3 =	simm.s32 $0x0;
	[dreg:$0x5] =	wrdreg s2  }
.LBB2_1:
0xc: {  	[dreg:$0x7] =	wrdreg s3  }
0xd: {  	s0 =	rddreg [dreg:$0x4]  }
0xe: {  	s2 =	simm.s32 $0x80;
	s18 =	simm.s32 $0x400;
	s8 =	simm.s32 $0x5  }
0xf: {  	[tilespmem:s5], [sflag:$0x5] =	stream.strided.gather [hbm4b:s0+s2], $0x380, s18, s2, $0x38;
	[tilespmem:$0x1CE00] =	vst v63  }
0x10: {  	_ =	swait.ge [sflag:s8], $0x380  }
0x11: {  	[sflag:s8] =	ssyncset.done $0x0  }
0x12: {  	s9 =	simm.s32 $0x700;
	s19 =	rddreg [dreg:$0x5];
	[sflag:s8] =	ssyncadd.s32 $0xFFFFFC80  }
0x13: {  	[tilespmem:s9], [sflag:$0x5] =	stream.strided.gather [hbm4b:s19+s2], $0x380, s18, s2, $0x38;
	[tilespmem:$0x1CE00] =	vst v63  }
0x14: {  	_ =	swait.ge [sflag:s8], $0x380  }
0x15: {  	[sflag:s8] =	ssyncset.done $0x0  }
0x16: {  	[sflag:s8] =	ssyncadd.s32 $0xFFFFFC80  }
0x17: {  	v4 =	vld [tilespmem:$0x0];
	_ =	sdelay $0x4  }
0x18: {  	v5 =	vshll.u32 v4, $0x1  }
0x19: {  	v4 =	vand.u32 $0x7, v4;
	v5 =	vand.u32 $0xFFFFFFF0, v5  }
0x1a: {  	v4 =	vor.u32 v4, v5  }
0x1b: {  	v5 =	vperm.xlane v4, v0;
	_ =	sdelay $0x1  }
0x1c: {  	v4 =	vperm.xlane v4, v2;
	v5 =	vadd.s32 v1, v5;
	_ =	sdelay $0x1  }
0x1d: {  	v4 =	vadd.s32 v1, v4;
	_ =	sdelay $0x1  }
0x1e: {  	s20 =	simm.s32 $0xE00  }
0x1f: {  	[tilespmem:s20], [sflag:$0x1] =	stream.indirect_vreg.gather [hbm4b:s1+s5], $0x80, v5, vm0, $0xb8;
	[tilespmem:$0x1CE00] =	vst v63  }
0x20: {  	s22 =	simm.s32 $0x1600  }
0x21: {  	[tilespmem:s22], [sflag:$0x1] =	stream.indirect_vreg.gather [hbm4b:s1+s5], $0x80, v4, vm0, $0xb8;
	[tilespmem:$0x1CE00] =	vst v63  }
0x22: {  	v4 =	vld [tilespmem:$0x10];
	_ =	sdelay $0x4  }
0x23: {  	v5 =	vshll.u32 v4, $0x1  }
0x24: {  	v4 =	vand.u32 $0x7, v4;
	v5 =	vand.u32 $0xFFFFFFF0, v5  }
0x25: {  	v4 =	vor.u32 v4, v5  }
0x26: {  	v5 =	vperm.xlane v4, v0;
	_ =	sdelay $0x1  }
0x27: {  	v4 =	vperm.xlane v4, v2;
	v5 =	vadd.s32 v1, v5;
	_ =	sdelay $0x1  }
0x28: {  	v4 =	vadd.s32 v1, v4;
	_ =	sdelay $0x1  }
0x29: {  	s23 =	simm.s32 $0x1E00  }
0x2a: {  	[tilespmem:s23], [sflag:$0x1] =	stream.indirect_vreg.gather [hbm4b:s1+s5], $0x80, v5, vm0, $0xb8;
	[tilespmem:$0x1CE00] =	vst v63  }
0x2b: {  	s24 =	simm.s32 $0x2600  }
0x2c: {  	[tilespmem:s24], [sflag:$0x1] =	stream.indirect_vreg.gather [hbm4b:s1+s5], $0x80, v4, vm0, $0xb8;
	[tilespmem:$0x1CE00] =	vst v63  }
0x2d: {  	v4 =	vld [tilespmem:$0x20];
	_ =	sdelay $0x4  }
0x2e: {  	v5 =	vshll.u32 v4, $0x1  }
0x2f: {  	v4 =	vand.u32 $0x7, v4;
	v5 =	vand.u32 $0xFFFFFFF0, v5  }
0x30: {  	v4 =	vor.u32 v4, v5  }
0x31: {  	v5 =	vperm.xlane v4, v0;
	_ =	sdelay $0x1  }
0x32: {  	v4 =	vperm.xlane v4, v2;
	v5 =	vadd.s32 v1, v5;
	_ =	sdelay $0x1  }
0x33: {  	v4 =	vadd.s32 v1, v4;
	_ =	sdelay $0x1  }
0x34: {  	s29 =	simm.s32 $0x2E00  }
0x35: {  	[tilespmem:s29], [sflag:$0x1] =	stream.indirect_vreg.gather [hbm4b:s1+s5], $0x80, v5, vm0, $0xb8;
	[tilespmem:$0x1CE00] =	vst v63  }
0x36: {  	s30 =	simm.s32 $0x3600  }
0x37: {  	[tilespmem:s30], [sflag:$0x1] =	stream.indirect_vreg.gather [hbm4b:s1+s5], $0x80, v4, vm0, $0xb8;
	[tilespmem:$0x1CE00] =	vst v63  }
0x38: {  	v4 =	vld [tilespmem:$0x30];
	_ =	sdelay $0x4  }
0x39: {  	v5 =	vshll.u32 v4, $0x1  }
0x3a: {  	v4 =	vand.u32 $0x7, v4;
	v5 =	vand.u32 $0xFFFFFFF0, v5  }
0x3b: {  	v4 =	vor.u32 v4, v5  }
0x3c: {  	v5 =	vperm.xlane v4, v0;
	_ =	sdelay $0x1  }
0x3d: {  	v4 =	vperm.xlane v4, v2;
	v5 =	vadd.s32 v1, v5;
	_ =	sdelay $0x1  }
0x3e: {  	v4 =	vadd.s32 v1, v4;
	_ =	sdelay $0x1  }
0x3f: {  	s31 =	simm.s32 $0x3E00  }
0x40: {  	[tilespmem:s31], [sflag:$0x1] =	stream.indirect_vreg.gather [hbm4b:s1+s5], $0x80, v5, vm0, $0xb8;
	[tilespmem:$0x1CE00] =	vst v63  }
0x41: {  	s2 =	simm.s32 $0x4600  }
0x42: {  	[tilespmem:s2], [sflag:$0x1] =	stream.indirect_vreg.gather [hbm4b:s1+s5], $0x80, v4, vm0, $0xb8;
	[tilespmem:$0x1CE00] =	vst v63  }
0x43: {  	v4 =	vld [tilespmem:$0x40];
	_ =	sdelay $0x4  }
0x44: {  	v5 =	vshll.u32 v4, $0x1  }
0x45: {  	v4 =	vand.u32 $0x7, v4;
	v5 =	vand.u32 $0xFFFFFFF0, v5  }
0x46: {  	v4 =	vor.u32 v4, v5  }
0x47: {  	v5 =	vperm.xlane v4, v0;
	_ =	sdelay $0x1  }
0x48: {  	v4 =	vperm.xlane v4, v2;
	v5 =	vadd.s32 v1, v5;
	_ =	sdelay $0x1  }
0x49: {  	v4 =	vadd.s32 v1, v4;
	_ =	sdelay $0x1  }
0x4a: {  	s3 =	simm.s32 $0x4E00  }
0x4b: {  	[tilespmem:s3], [sflag:$0x1] =	stream.indirect_vreg.gather [hbm4b:s1+s5], $0x80, v5, vm0, $0xb8;
	[tilespmem:$0x1CE00] =	vst v63  }
0x4c: {  	s8 =	simm.s32 $0x5600  }
0x4d: {  	[tilespmem:s8], [sflag:$0x1] =	stream.indirect_vreg.gather [hbm4b:s1+s5], $0x80, v4, vm0, $0xb8;
	[tilespmem:$0x1CE00] =	vst v63  }
0x4e: {  	v4 =	vld [tilespmem:$0x50];
	_ =	sdelay $0x4  }
0x4f: {  	v5 =	vshll.u32 v4, $0x1  }
0x50: {  	v4 =	vand.u32 $0x7, v4;
	v5 =	vand.u32 $0xFFFFFFF0, v5  }
0x51: {  	v4 =	vor.u32 v4, v5  }
0x52: {  	v5 =	vperm.xlane v4, v0;
	_ =	sdelay $0x1  }
0x53: {  	v4 =	vperm.xlane v4, v2;
	v5 =	vadd.s32 v1, v5;
	_ =	sdelay $0x1  }
0x54: {  	v4 =	vadd.s32 v1, v4;
	_ =	sdelay $0x1  }
0x55: {  	s9 =	simm.s32 $0x5E00  }
0x56: {  	[tilespmem:s9], [sflag:$0x1] =	stream.indirect_vreg.gather [hbm4b:s1+s5], $0x80, v5, vm0, $0xb8;
	[tilespmem:$0x1CE00] =	vst v63  }
0x57: {  	s10 =	simm.s32 $0x6600  }
0x58: {  	[tilespmem:s10], [sflag:$0x1] =	stream.indirect_vreg.gather [hbm4b:s1+s5], $0x80, v4, vm0, $0xb8;
	[tilespmem:$0x1CE00] =	vst v63  }
0x59: {  	v4 =	vld [tilespmem:$0x60];
	_ =	sdelay $0x4  }
0x5a: {  	v5 =	vshll.u32 v4, $0x1  }
0x5b: {  	v4 =	vand.u32 $0x7, v4;
	v5 =	vand.u32 $0xFFFFFFF0, v5  }
0x5c: {  	v4 =	vor.u32 v4, v5  }
0x5d: {  	v5 =	vperm.xlane v4, v0;
	_ =	sdelay $0x1  }
0x5e: {  	v4 =	vperm.xlane v4, v2;
	v5 =	vadd.s32 v1, v5;
	_ =	sdelay $0x1  }
0x5f: {  	v4 =	vadd.s32 v1, v4;
	_ =	sdelay $0x1  }
0x60: {  	s11 =	simm.s32 $0x6E00  }
0x61: {  	[tilespmem:s11], [sflag:$0x1] =	stream.indirect_vreg.gather [hbm4b:s1+s5], $0x80, v5, vm0, $0xb8;
	[tilespmem:$0x1CE00] =	vst v63  }
0x62: {  	s12 =	simm.s32 $0x7600  }
0x63: {  	[tilespmem:s12], [sflag:$0x1] =	stream.indirect_vreg.gather [hbm4b:s1+s5], $0x80, v4, vm0, $0xb8;
	[tilespmem:$0x1CE00] =	vst v63  }
0x64: {  	v4 =	vld [tilespmem:$0x70];
	_ =	sdelay $0x4  }
0x65: {  	v5 =	vshll.u32 v4, $0x1  }
0x66: {  	v4 =	vand.u32 $0x7, v4;
	v5 =	vand.u32 $0xFFFFFFF0, v5  }
0x67: {  	v4 =	vor.u32 v4, v5  }
0x68: {  	v5 =	vperm.xlane v4, v0;
	_ =	sdelay $0x1  }
0x69: {  	v4 =	vperm.xlane v4, v2;
	v5 =	vadd.s32 v1, v5;
	_ =	sdelay $0x1  }
0x6a: {  	v4 =	vadd.s32 v1, v4;
	_ =	sdelay $0x1  }
0x6b: {  	s13 =	simm.s32 $0x7E00  }
0x6c: {  	[tilespmem:s13], [sflag:$0x2] =	stream.indirect_vreg.gather [hbm4b:s1+s5], $0x80, v5, vm0, $0xb8;
	[tilespmem:$0x1CE00] =	vst v63  }
0x6d: {  	s14 =	simm.s32 $0x8600  }
0x6e: {  	[tilespmem:s14], [sflag:$0x2] =	stream.indirect_vreg.gather [hbm4b:s1+s5], $0x80, v4, vm0, $0xb8;
	[tilespmem:$0x1CE00] =	vst v63  }
0x6f: {  	v4 =	vld [tilespmem:$0x80];
	_ =	sdelay $0x4  }
0x70: {  	v5 =	vshll.u32 v4, $0x1  }
0x71: {  	v4 =	vand.u32 $0x7, v4;
	v5 =	vand.u32 $0xFFFFFFF0, v5  }
0x72: {  	v4 =	vor.u32 v4, v5  }
0x73: {  	v5 =	vperm.xlane v4, v0;
	_ =	sdelay $0x1  }
0x74: {  	v4 =	vperm.xlane v4, v2;
	v5 =	vadd.s32 v1, v5;
	_ =	sdelay $0x1  }
0x75: {  	v4 =	vadd.s32 v1, v4;
	_ =	sdelay $0x1  }
0x76: {  	s15 =	simm.s32 $0x8E00  }
0x77: {  	[tilespmem:s15], [sflag:$0x2] =	stream.indirect_vreg.gather [hbm4b:s1+s5], $0x80, v5, vm0, $0xb8;
	[tilespmem:$0x1CE00] =	vst v63  }
0x78: {  	s16 =	simm.s32 $0x9600  }
0x79: {  	[tilespmem:s16], [sflag:$0x2] =	stream.indirect_vreg.gather [hbm4b:s1+s5], $0x80, v4, vm0, $0xb8;
	[tilespmem:$0x1CE00] =	vst v63  }
0x7a: {  	v4 =	vld [tilespmem:$0x90];
	_ =	sdelay $0x4  }
0x7b: {  	v5 =	vshll.u32 v4, $0x1  }
0x7c: {  	v4 =	vand.u32 $0x7, v4;
	v5 =	vand.u32 $0xFFFFFFF0, v5  }
0x7d: {  	v4 =	vor.u32 v4, v5  }
0x7e: {  	v5 =	vperm.xlane v4, v0;
	_ =	sdelay $0x1  }
0x7f: {  	v4 =	vperm.xlane v4, v2;
	v5 =	vadd.s32 v1, v5;
	_ =	sdelay $0x1  }
0x80: {  	v4 =	vadd.s32 v1, v4;
	_ =	sdelay $0x1  }
0x81: {  	s17 =	simm.s32 $0x9E00  }
0x82: {  	[tilespmem:s17], [sflag:$0x2] =	stream.indirect_vreg.gather [hbm4b:s1+s5], $0x80, v5, vm0, $0xb8;
	[tilespmem:$0x1CE00] =	vst v63  }
0x83: {  	s18 =	simm.s32 $0xA600  }
0x84: {  	[tilespmem:s18], [sflag:$0x2] =	stream.indirect_vreg.gather [hbm4b:s1+s5], $0x80, v4, vm0, $0xb8;
	[tilespmem:$0x1CE00] =	vst v63  }
0x85: {  	v4 =	vld [tilespmem:$0xA0];
	_ =	sdelay $0x4  }
0x86: {  	v5 =	vshll.u32 v4, $0x1  }
0x87: {  	v4 =	vand.u32 $0x7, v4;
	v5 =	vand.u32 $0xFFFFFFF0, v5  }
0x88: {  	v4 =	vor.u32 v4, v5  }
0x89: {  	v5 =	vperm.xlane v4, v0;
	_ =	sdelay $0x1  }
0x8a: {  	v4 =	vperm.xlane v4, v2;
	v5 =	vadd.s32 v1, v5;
	_ =	sdelay $0x1  }
0x8b: {  	v4 =	vadd.s32 v1, v4;
	_ =	sdelay $0x1  }
0x8c: {  	s19 =	simm.s32 $0xAE00  }
0x8d: {  	[tilespmem:s19], [sflag:$0x2] =	stream.indirect_vreg.gather [hbm4b:s1+s5], $0x80, v5, vm0, $0xb8;
	[tilespmem:$0x1CE00] =	vst v63  }
0x8e: {  	s20 =	simm.s32 $0xB600  }
0x8f: {  	[tilespmem:s20], [sflag:$0x2] =	stream.indirect_vreg.gather [hbm4b:s1+s5], $0x80, v4, vm0, $0xb8;
	[tilespmem:$0x1CE00] =	vst v63  }
0x90: {  	v4 =	vld [tilespmem:$0xB0];
	_ =	sdelay $0x4  }
0x91: {  	v5 =	vshll.u32 v4, $0x1  }
0x92: {  	v4 =	vand.u32 $0x7, v4;
	v5 =	vand.u32 $0xFFFFFFF0, v5  }
0x93: {  	v4 =	vor.u32 v4, v5  }
0x94: {  	v5 =	vperm.xlane v4, v0;
	_ =	sdelay $0x1  }
0x95: {  	v4 =	vperm.xlane v4, v2;
	v5 =	vadd.s32 v1, v5;
	_ =	sdelay $0x1  }
0x96: {  	v4 =	vadd.s32 v1, v4;
	_ =	sdelay $0x1  }
0x97: {  	s22 =	simm.s32 $0xBE00  }
0x98: {  	[tilespmem:s22], [sflag:$0x2] =	stream.indirect_vreg.gather [hbm4b:s1+s5], $0x80, v5, vm0, $0xb8;
	[tilespmem:$0x1CE00] =	vst v63  }
0x99: {  	s23 =	simm.s32 $0xC600  }
0x9a: {  	[tilespmem:s23], [sflag:$0x2] =	stream.indirect_vreg.gather [hbm4b:s1+s5], $0x80, v4, vm0, $0xb8;
	[tilespmem:$0x1CE00] =	vst v63  }
0x9b: {  	v4 =	vld [tilespmem:$0xC0];
	_ =	sdelay $0x4  }
0x9c: {  	v5 =	vshll.u32 v4, $0x1  }
0x9d: {  	v4 =	vand.u32 $0x7, v4;
	v5 =	vand.u32 $0xFFFFFFF0, v5  }
0x9e: {  	v4 =	vor.u32 v4, v5  }
0x9f: {  	v5 =	vperm.xlane v4, v0;
	_ =	sdelay $0x1  }
0xa0: {  	v4 =	vperm.xlane v4, v2;
	v5 =	vadd.s32 v1, v5;
	_ =	sdelay $0x1  }
0xa1: {  	v4 =	vadd.s32 v1, v4;
	_ =	sdelay $0x1  }
0xa2: {  	s24 =	simm.s32 $0xCE00  }
0xa3: {  	[tilespmem:s24], [sflag:$0x2] =	stream.indirect_vreg.gather [hbm4b:s1+s5], $0x80, v5, vm0, $0xb8;
	[tilespmem:$0x1CE00] =	vst v63  }
0xa4: {  	s29 =	simm.s32 $0xD600  }
0xa5: {  	[tilespmem:s29], [sflag:$0x2] =	stream.indirect_vreg.gather [hbm4b:s1+s5], $0x80, v4, vm0, $0xb8;
	[tilespmem:$0x1CE00] =	vst v63  }
0xa6: {  	v4 =	vld [tilespmem:$0xD0];
	_ =	sdelay $0x4  }
0xa7: {  	v5 =	vshll.u32 v4, $0x1  }
0xa8: {  	v4 =	vand.u32 $0x7, v4;
	v5 =	vand.u32 $0xFFFFFFF0, v5  }
0xa9: {  	v4 =	vor.u32 v4, v5  }
0xaa: {  	v5 =	vperm.xlane v4, v0;
	_ =	sdelay $0x1  }
0xab: {  	v4 =	vperm.xlane v4, v2;
	v5 =	vadd.s32 v1, v5;
	_ =	sdelay $0x1  }
0xac: {  	v4 =	vadd.s32 v1, v4;
	_ =	sdelay $0x1  }
0xad: {  	s30 =	simm.s32 $0xDE00  }
0xae: {  	[tilespmem:s30], [sflag:$0x2] =	stream.indirect_vreg.gather [hbm4b:s1+s5], $0x80, v5, vm0, $0xb8;
	[tilespmem:$0x1CE00] =	vst v63  }
0xaf: {  	s31 =	simm.s32 $0xE600;
	s3 =	simm.s32 $0x0  }
0xb0: {  	[tilespmem:s31], [sflag:$0x2] =	stream.indirect_vreg.gather [hbm4b:s1+s5], $0x80, v4, vm0, $0xb8;
	[tilespmem:$0x1CE00] =	vst v63  }
.LBB2_2:
0xb1: {  	s30 =	sor.u32 s4, s3;
	p0 =	seq.s32 s3, $0x1F  }
0xb2: {  	s0 =	sadd.s32 @!p0 $0x1, s30  }
0xb3: {  	s2 =	sshrl.u32 @!p0 s0, $0x3  }
0xb4: {  	s23 =	sand.u32 $0x1, s3;
	s8 =	sshll.u32 @!p0 s0, $0x7;
	s2 =	smul.u32 @!p0 $0x1C00, s2  }
0xb5: {  	s9 =	sxor.u32 $0x1, s23;
	s8 =	sand.u32 @!p0 $0x380, s8  }
0xb6: {  	s10 =	simm.s32 @!p0 $0x400;
	p1 =	slt.u32 @!p0 s3, $0x2;
	s2 =	sor.u32 @!p0 s8, s2  }
0xb7: {  	s31 =	smul.u32 $0x380, s9;
	s8 =	rddreg [dreg:$0x1];
	s2 =	sshrl.u32 @!p0 s2, $0x3  }
0xb8: {  	s24 =	smul.u32 $0xE000, s23;
	s9 =	simm.s32 @!p0 $0x80;
	s8 =	sadd.s32 @!p0 s8, s2  }
0xb9: {  	[tilespmem:s31], [sflag:$0x4] =	stream.strided.gather @!p0 [hbm4b:s8+s9], $0x380, s10, s9, $0x38;
	[tilespmem:$0x1CE00] =	vst v63  }
0xba: {  	p1 =	por p0, !p1;
	s2 =	sadd.s32 @!p0 s6, s2;
	s8 =	sadd.s32 @!p0 $0x700, s31  }
0xbb: {  	[tilespmem:s8], [sflag:$0x4] =	stream.strided.gather @!p0 [hbm4b:s2+s9], $0x380, s10, s9, $0x38;
	[tilespmem:$0x1CE00] =	vst v63  }
0xbc: {  	s14 =	smul.u32 $0x7, s3;
	s18 =	simm.s32 $0x0;
	s2 =	simm.s32 @p1 $0x3  }
0xbd: {  	s0 =	smul.u32 $0x380, s23;
	s29 =	sshrl.u32 s24, $0x2;
	_ =	swait.ge @p1 [sflag:s2], $0x3800  }
0xbe: {  	s16 =	sadd.s32 $0xD0, s31;
	s17 =	sadd.s32 $0x60, s31;
	[sflag:s2] =	ssyncset.done @p1 $0x0  }
0xbf: {  	s15 =	sadd.s32 $0x15E00, s29;
	v4 =	vmov s0;
	[sflag:s2] =	ssyncadd.s32 @p1 $0xFFFFC800;
	s2 =	sadd.s32 $0x1, s3  }
.LBB2_3:
0xc0: {  	s19 =	sadd.s32 s14, s18  }
0xc1: {  	s3 =	sadd.s32 $0x2, s19;
	s9 =	sand.u32 $0x1, s19  }
0xc2: {  	s8 =	smulhi.u32 $0xAAAAAAAB, s3;
	p2 =	seq.s32 s9, $0x1  }
.Ltmp0:
0xc3: {  	_ = 	snop;
	(pc) =	sbr.rel @p2 .LBB2_7-.Ltmp0, $3  }
0xc4: {  	s8 =	sshrl.u32 s8, $0x1  }
0xc5: {  	s8 =	smul.u32 $0x3, s8;
	_ =	sdelay $0x1  }
0xc6: {  	p1 =	slt.u32 s18, $0x5;
	s3 =	ssub.s32 s3, s8  }
.Ltmp1:
0xc7: {  	(pc) =	sbr.rel @!p1 .LBB2_8-.Ltmp1, $4  }
0xc8: {  	_ = 	snop  }
0xc9: {  	_ =	swait.ge [sflag:s25], $0x7000  }
0xca: {  	[sflag:s25] =	ssyncset.done $0x0  }
0xcb: {  	[sflag:s25] =	ssyncadd.s32 $0xFFFF9000  }
0xcc: {  	_ = 	snop  }
0xcd: {  	s8 =	smul.u32 $0x1C0, s18;
	_ =	sdelay $0x1  }
0xce: {  	s8 =	sshra.s32 s8, $0x2  }
0xcf: {  	v5 =	vld.idx.msk [tilespmem:v4+s8+$0xE0 ss:$0x1], $0xffff;
	_ =	sdelay $0x4  }
0xd0: {  	v6 =	vshll.u32 v5, $0x1  }
0xd1: {  	v5 =	vand.u32 $0x7, v5;
	v6 =	vand.u32 $0xFFFFFFF0, v6  }
0xd2: {  	v5 =	vor.u32 v5, v6  }
0xd3: {  	v6 =	vperm.xlane v5, v0;
	_ =	sdelay $0x1  }
0xd4: {  	v5 =	vperm.xlane v5, v2;
	v6 =	vadd.s32 v1, v6  }
0xd5: {  	s3 =	smul.u32 $0x1C000, s3  }
0xd6: {  	v5 =	vadd.s32 v1, v5  }
0xd7: {  	s3 =	sshra.s32 s3, $0x2  }
0xd8: {  	s20 =	sor.u32 $0xE00, s3  }
0xd9: {  	[tilespmem:s20], [sflag:$0x1] =	stream.indirect_vreg.gather [hbm4b:s1+s5], $0x80, v6, vm0, $0xb8;
	[tilespmem:$0x1CE00] =	vst v63  }
0xda: {  	s9 =	sadd.s32 $0x1600, s3  }
0xdb: {  	[tilespmem:s9], [sflag:$0x1] =	stream.indirect_vreg.gather [hbm4b:s1+s5], $0x80, v5, vm0, $0xb8;
	[tilespmem:$0x1CE00] =	vst v63  }
0xdc: {  	v5 =	vld.idx.msk [tilespmem:v4+s8+$0xF0 ss:$0x1], $0xffff;
	_ =	sdelay $0x4  }
0xdd: {  	v6 =	vshll.u32 v5, $0x1  }
0xde: {  	v5 =	vand.u32 $0x7, v5;
	v6 =	vand.u32 $0xFFFFFFF0, v6  }
0xdf: {  	v5 =	vor.u32 v5, v6  }
0xe0: {  	v6 =	vperm.xlane v5, v0;
	_ =	sdelay $0x1  }
0xe1: {  	v5 =	vperm.xlane v5, v2;
	v6 =	vadd.s32 v1, v6;
	_ =	sdelay $0x1  }
0xe2: {  	v5 =	vadd.s32 v1, v5;
	_ =	sdelay $0x1  }
0xe3: {  	s24 =	sadd.s32 $0x1E00, s3  }
0xe4: {  	[tilespmem:s24], [sflag:$0x1] =	stream.indirect_vreg.gather [hbm4b:s1+s5], $0x80, v6, vm0, $0xb8;
	[tilespmem:$0x1CE00] =	vst v63  }
0xe5: {  	s29 =	sadd.s32 $0x2600, s3  }
0xe6: {  	[tilespmem:s29], [sflag:$0x1] =	stream.indirect_vreg.gather [hbm4b:s1+s5], $0x80, v5, vm0, $0xb8;
	[tilespmem:$0x1CE00] =	vst v63  }
0xe7: {  	v5 =	vld.idx.msk [tilespmem:v4+s8+$0x100 ss:$0x1], $0xffff;
	_ =	sdelay $0x4  }
0xe8: {  	v6 =	vshll.u32 v5, $0x1  }
0xe9: {  	v5 =	vand.u32 $0x7, v5;
	v6 =	vand.u32 $0xFFFFFFF0, v6  }
0xea: {  	v5 =	vor.u32 v5, v6  }
0xeb: {  	v6 =	vperm.xlane v5, v0;
	_ =	sdelay $0x1  }
0xec: {  	v5 =	vperm.xlane v5, v2;
	v6 =	vadd.s32 v1, v6;
	_ =	sdelay $0x1  }
0xed: {  	v5 =	vadd.s32 v1, v5;
	_ =	sdelay $0x1  }
0xee: {  	s10 =	sadd.s32 $0x2E00, s3  }
0xef: {  	[tilespmem:s10], [sflag:$0x1] =	stream.indirect_vreg.gather [hbm4b:s1+s5], $0x80, v6, vm0, $0xb8;
	[tilespmem:$0x1CE00] =	vst v63  }
0xf0: {  	s11 =	sadd.s32 $0x3600, s3  }
0xf1: {  	[tilespmem:s11], [sflag:$0x1] =	stream.indirect_vreg.gather [hbm4b:s1+s5], $0x80, v5, vm0, $0xb8;
	[tilespmem:$0x1CE00] =	vst v63  }
0xf2: {  	v5 =	vld.idx.msk [tilespmem:v4+s8+$0x110 ss:$0x1], $0xffff;
	_ =	sdelay $0x4  }
0xf3: {  	v6 =	vshll.u32 v5, $0x1  }
0xf4: {  	v5 =	vand.u32 $0x7, v5;
	v6 =	vand.u32 $0xFFFFFFF0, v6  }
0xf5: {  	v5 =	vor.u32 v5, v6  }
0xf6: {  	v6 =	vperm.xlane v5, v0;
	_ =	sdelay $0x1  }
0xf7: {  	v5 =	vperm.xlane v5, v2;
	v6 =	vadd.s32 v1, v6;
	_ =	sdelay $0x1  }
0xf8: {  	v5 =	vadd.s32 v1, v5;
	_ =	sdelay $0x1  }
0xf9: {  	s12 =	sadd.s32 $0x3E00, s3  }
0xfa: {  	[tilespmem:s12], [sflag:$0x1] =	stream.indirect_vreg.gather [hbm4b:s1+s5], $0x80, v6, vm0, $0xb8;
	[tilespmem:$0x1CE00] =	vst v63  }
0xfb: {  	s13 =	sadd.s32 $0x4600, s3  }
0xfc: {  	[tilespmem:s13], [sflag:$0x1] =	stream.indirect_vreg.gather [hbm4b:s1+s5], $0x80, v5, vm0, $0xb8;
	[tilespmem:$0x1CE00] =	vst v63  }
0xfd: {  	v5 =	vld.idx.msk [tilespmem:v4+s8+$0x120 ss:$0x1], $0xffff;
	_ =	sdelay $0x4  }
0xfe: {  	v6 =	vshll.u32 v5, $0x1  }
0xff: {  	v5 =	vand.u32 $0x7, v5;
	v6 =	vand.u32 $0xFFFFFFF0, v6  }
0x100: {  	v5 =	vor.u32 v5, v6  }
0x101: {  	v6 =	vperm.xlane v5, v0;
	_ =	sdelay $0x1  }
0x102: {  	v5 =	vperm.xlane v5, v2;
	v6 =	vadd.s32 v1, v6;
	_ =	sdelay $0x1  }
0x103: {  	v5 =	vadd.s32 v1, v5;
	_ =	sdelay $0x1  }
0x104: {  	s22 =	sadd.s32 $0x4E00, s3  }
0x105: {  	[tilespmem:s22], [sflag:$0x1] =	stream.indirect_vreg.gather [hbm4b:s1+s5], $0x80, v6, vm0, $0xb8;
	[tilespmem:$0x1CE00] =	vst v63  }
0x106: {  	s23 =	sadd.s32 $0x5600, s3  }
0x107: {  	[tilespmem:s23], [sflag:$0x1] =	stream.indirect_vreg.gather [hbm4b:s1+s5], $0x80, v5, vm0, $0xb8;
	[tilespmem:$0x1CE00] =	vst v63  }
0x108: {  	v5 =	vld.idx.msk [tilespmem:v4+s8+$0x130 ss:$0x1], $0xffff;
	_ =	sdelay $0x4  }
0x109: {  	v6 =	vshll.u32 v5, $0x1  }
0x10a: {  	v5 =	vand.u32 $0x7, v5;
	v6 =	vand.u32 $0xFFFFFFF0, v6  }
0x10b: {  	v5 =	vor.u32 v5, v6  }
0x10c: {  	v6 =	vperm.xlane v5, v0;
	_ =	sdelay $0x1  }
0x10d: {  	v5 =	vperm.xlane v5, v2;
	v6 =	vadd.s32 v1, v6;
	_ =	sdelay $0x1  }
0x10e: {  	v5 =	vadd.s32 v1, v5;
	_ =	sdelay $0x1  }
.Ltmp2:
0x10f: {  	s24 =	sadd.s32 $0x5E00, s3;
	(pc) =	sbr.rel .LBB2_16-.Ltmp2, $4  }
0x110: {  	[tilespmem:s24], [sflag:$0x1] =	stream.indirect_vreg.gather [hbm4b:s1+s5], $0x80, v6, vm0, $0xb8;
	[tilespmem:$0x1CE00] =	vst v63  }
0x111: {  	s3 =	sadd.s32 $0x6600, s3;
	s29 =	sadd.s32 s8, s0  }
0x112: {  	[tilespmem:s3], [sflag:$0x1] =	stream.indirect_vreg.gather [hbm4b:s1+s5], $0x80, v5, vm0, $0xb8;
	[tilespmem:$0x1CE00] =	vst v63  }
0x113: {  	s8 =	sadd.s32 $0x140, s29;
	s3 =	simm.s32 $0x1  }
.LBB2_7:
.Ltmp3:
0x114: {  	(pc) =	sbr.rel @!p1 .LBB2_8-.Ltmp3, $4  }
0x115: {  	_ = 	snop  }
0x116: {  	_ =	swait.ge [sflag:s28], $0x7000  }
0x117: {  	[sflag:s28] =	ssyncset.done $0x0  }
0x118: {  	[sflag:s28] =	ssyncadd.s32 $0xFFFF9000  }
0x119: {  	_ = 	snop  }
0x11a: {  	s8 =	smul.u32 $0x1C0, s18;
	_ =	sdelay $0x1  }
0x11b: {  	s8 =	sshra.s32 s8, $0x2  }
0x11c: {  	v5 =	vld.idx.msk [tilespmem:v4+s8+$0xE0 ss:$0x1], $0xffff;
	_ =	sdelay $0x4  }
0x11d: {  	v6 =	vshll.u32 v5, $0x1  }
0x11e: {  	v5 =	vand.u32 $0x7, v5;
	v6 =	vand.u32 $0xFFFFFFF0, v6  }
0x11f: {  	v5 =	vor.u32 v5, v6  }
0x120: {  	v6 =	vperm.xlane v5, v0;
	_ =	sdelay $0x1  }
0x121: {  	v5 =	vperm.xlane v5, v2;
	v6 =	vadd.s32 v1, v6  }
0x122: {  	s3 =	smul.u32 $0x1C000, s3  }
0x123: {  	v5 =	vadd.s32 v1, v5  }
0x124: {  	s3 =	sshra.s32 s3, $0x2  }
0x125: {  	s20 =	sor.u32 $0xE00, s3  }
0x126: {  	[tilespmem:s20], [sflag:$0x2] =	stream.indirect_vreg.gather [hbm4b:s1+s5], $0x80, v6, vm0, $0xb8;
	[tilespmem:$0x1CE00] =	vst v63  }
0x127: {  	s9 =	sadd.s32 $0x1600, s3  }
0x128: {  	[tilespmem:s9], [sflag:$0x2] =	stream.indirect_vreg.gather [hbm4b:s1+s5], $0x80, v5, vm0, $0xb8;
	[tilespmem:$0x1CE00] =	vst v63  }
0x129: {  	v5 =	vld.idx.msk [tilespmem:v4+s8+$0xF0 ss:$0x1], $0xffff;
	_ =	sdelay $0x4  }
0x12a: {  	v6 =	vshll.u32 v5, $0x1  }
0x12b: {  	v5 =	vand.u32 $0x7, v5;
	v6 =	vand.u32 $0xFFFFFFF0, v6  }
0x12c: {  	v5 =	vor.u32 v5, v6  }
0x12d: {  	v6 =	vperm.xlane v5, v0;
	_ =	sdelay $0x1  }
0x12e: {  	v5 =	vperm.xlane v5, v2;
	v6 =	vadd.s32 v1, v6;
	_ =	sdelay $0x1  }
0x12f: {  	v5 =	vadd.s32 v1, v5;
	_ =	sdelay $0x1  }
0x130: {  	s24 =	sadd.s32 $0x1E00, s3  }
0x131: {  	[tilespmem:s24], [sflag:$0x2] =	stream.indirect_vreg.gather [hbm4b:s1+s5], $0x80, v6, vm0, $0xb8;
	[tilespmem:$0x1CE00] =	vst v63  }
0x132: {  	s29 =	sadd.s32 $0x2600, s3  }
0x133: {  	[tilespmem:s29], [sflag:$0x2] =	stream.indirect_vreg.gather [hbm4b:s1+s5], $0x80, v5, vm0, $0xb8;
	[tilespmem:$0x1CE00] =	vst v63  }
0x134: {  	v5 =	vld.idx.msk [tilespmem:v4+s8+$0x100 ss:$0x1], $0xffff;
	_ =	sdelay $0x4  }
0x135: {  	v6 =	vshll.u32 v5, $0x1  }
0x136: {  	v5 =	vand.u32 $0x7, v5;
	v6 =	vand.u32 $0xFFFFFFF0, v6  }
0x137: {  	v5 =	vor.u32 v5, v6  }
0x138: {  	v6 =	vperm.xlane v5, v0;
	_ =	sdelay $0x1  }
0x139: {  	v5 =	vperm.xlane v5, v2;
	v6 =	vadd.s32 v1, v6;
	_ =	sdelay $0x1  }
0x13a: {  	v5 =	vadd.s32 v1, v5;
	_ =	sdelay $0x1  }
0x13b: {  	s10 =	sadd.s32 $0x2E00, s3  }
0x13c: {  	[tilespmem:s10], [sflag:$0x2] =	stream.indirect_vreg.gather [hbm4b:s1+s5], $0x80, v6, vm0, $0xb8;
	[tilespmem:$0x1CE00] =	vst v63  }
0x13d: {  	s11 =	sadd.s32 $0x3600, s3  }
0x13e: {  	[tilespmem:s11], [sflag:$0x2] =	stream.indirect_vreg.gather [hbm4b:s1+s5], $0x80, v5, vm0, $0xb8;
	[tilespmem:$0x1CE00] =	vst v63  }
0x13f: {  	v5 =	vld.idx.msk [tilespmem:v4+s8+$0x110 ss:$0x1], $0xffff;
	_ =	sdelay $0x4  }
0x140: {  	v6 =	vshll.u32 v5, $0x1  }
0x141: {  	v5 =	vand.u32 $0x7, v5;
	v6 =	vand.u32 $0xFFFFFFF0, v6  }
0x142: {  	v5 =	vor.u32 v5, v6  }
0x143: {  	v6 =	vperm.xlane v5, v0;
	_ =	sdelay $0x1  }
0x144: {  	v5 =	vperm.xlane v5, v2;
	v6 =	vadd.s32 v1, v6;
	_ =	sdelay $0x1  }
0x145: {  	v5 =	vadd.s32 v1, v5;
	_ =	sdelay $0x1  }
0x146: {  	s12 =	sadd.s32 $0x3E00, s3  }
0x147: {  	[tilespmem:s12], [sflag:$0x2] =	stream.indirect_vreg.gather [hbm4b:s1+s5], $0x80, v6, vm0, $0xb8;
	[tilespmem:$0x1CE00] =	vst v63  }
0x148: {  	s13 =	sadd.s32 $0x4600, s3  }
0x149: {  	[tilespmem:s13], [sflag:$0x2] =	stream.indirect_vreg.gather [hbm4b:s1+s5], $0x80, v5, vm0, $0xb8;
	[tilespmem:$0x1CE00] =	vst v63  }
0x14a: {  	v5 =	vld.idx.msk [tilespmem:v4+s8+$0x120 ss:$0x1], $0xffff;
	_ =	sdelay $0x4  }
0x14b: {  	v6 =	vshll.u32 v5, $0x1  }
0x14c: {  	v5 =	vand.u32 $0x7, v5;
	v6 =	vand.u32 $0xFFFFFFF0, v6  }
0x14d: {  	v5 =	vor.u32 v5, v6  }
0x14e: {  	v6 =	vperm.xlane v5, v0;
	_ =	sdelay $0x1  }
0x14f: {  	v5 =	vperm.xlane v5, v2;
	v6 =	vadd.s32 v1, v6;
	_ =	sdelay $0x1  }
0x150: {  	v5 =	vadd.s32 v1, v5;
	_ =	sdelay $0x1  }
0x151: {  	s22 =	sadd.s32 $0x4E00, s3  }
0x152: {  	[tilespmem:s22], [sflag:$0x2] =	stream.indirect_vreg.gather [hbm4b:s1+s5], $0x80, v6, vm0, $0xb8;
	[tilespmem:$0x1CE00] =	vst v63  }
0x153: {  	s23 =	sadd.s32 $0x5600, s3  }
0x154: {  	[tilespmem:s23], [sflag:$0x2] =	stream.indirect_vreg.gather [hbm4b:s1+s5], $0x80, v5, vm0, $0xb8;
	[tilespmem:$0x1CE00] =	vst v63  }
0x155: {  	v5 =	vld.idx.msk [tilespmem:v4+s8+$0x130 ss:$0x1], $0xffff;
	_ =	sdelay $0x4  }
0x156: {  	v6 =	vshll.u32 v5, $0x1  }
0x157: {  	v5 =	vand.u32 $0x7, v5;
	v6 =	vand.u32 $0xFFFFFFF0, v6  }
0x158: {  	v5 =	vor.u32 v5, v6  }
0x159: {  	v6 =	vperm.xlane v5, v0;
	_ =	sdelay $0x1  }
0x15a: {  	v5 =	vperm.xlane v5, v2;
	v6 =	vadd.s32 v1, v6;
	_ =	sdelay $0x1  }
0x15b: {  	v5 =	vadd.s32 v1, v5;
	_ =	sdelay $0x1  }
.Ltmp4:
0x15c: {  	s24 =	sadd.s32 $0x5E00, s3;
	(pc) =	sbr.rel .LBB2_16-.Ltmp4, $4  }
0x15d: {  	[tilespmem:s24], [sflag:$0x2] =	stream.indirect_vreg.gather [hbm4b:s1+s5], $0x80, v6, vm0, $0xb8;
	[tilespmem:$0x1CE00] =	vst v63  }
0x15e: {  	s3 =	sadd.s32 $0x6600, s3;
	s29 =	sadd.s32 s8, s0  }
0x15f: {  	[tilespmem:s3], [sflag:$0x2] =	stream.indirect_vreg.gather [hbm4b:s1+s5], $0x80, v5, vm0, $0xb8;
	[tilespmem:$0x1CE00] =	vst v63  }
0x160: {  	s8 =	sadd.s32 $0x140, s29;
	s3 =	simm.s32 $0x2  }
.LBB2_8:
0x161: {  	p1 =	sne.s32 @!p0 s18, $0x5  }
0x162: {  	p1 =	por p0, p1  }
.Ltmp5:
0x163: {  	_ = 	snop;
	(pc) =	sbr.rel @p1 .LBB2_12-.Ltmp5, $1  }
0x164: {  	_ =	sdelay $0x3  }
0x165: {  	_ =	swait.ge [sflag:s26], $0x380  }
0x166: {  	[sflag:s26] =	ssyncset.done $0x0  }
0x167: {  	[sflag:s26] =	ssyncadd.s32 $0xFFFFFC80  }
0x168: {  	_ =	swait.ge [sflag:s26], $0x380  }
0x169: {  	[sflag:s26] =	ssyncset.done $0x0  }
0x16a: {  	[sflag:s26] =	ssyncadd.s32 $0xFFFFFC80  }
0x16b: {  	v5 =	vld [tilespmem:s31+$0x0];
	_ =	sdelay $0x4  }
0x16c: {  	s3 =	smul.u32 $0x1C000, s3;
	p1 =	sne.s32 s9, $0x0;
	v6 =	vshll.u32 v5, $0x1  }
.Ltmp6:
0x16d: {  	v5 =	vand.u32 $0x7, v5;
	v6 =	vand.u32 $0xFFFFFFF0, v6;
	(pc) =	sbr.rel @p1 .LBB2_11-.Ltmp6, $4  }
0x16e: {  	v6 =	vor.u32 v5, v6  }
0x16f: {  	s8 =	sshra.s32 s3, $0x2;
	v5 =	vperm.xlane v6, v0;
	v6 =	vperm.xlane v6, v3  }
0x170: {  	s20 =	sor.u32 $0xE00, s8  }
0x171: {  	s10 =	sadd.s32 $0x1600, s8;
	s9 =	sadd.s32 $0x1E00, s8;
	s3 =	sadd.s32 $0x2600, s8;
	v5 =	vadd.s32 v1, v5;
	v6 =	vadd.s32 v1, v6  }
0x172: {  	_ =	sdelay $0x3  }
0x173: {  	[tilespmem:s20], [sflag:$0x1] =	stream.indirect_vreg.gather [hbm4b:s1+s5], $0x80, v5, vm0, $0xb8;
	[tilespmem:$0x1CE00] =	vst v63  }
0x174: {  	_ = 	snop  }
0x175: {  	[tilespmem:s10], [sflag:$0x1] =	stream.indirect_vreg.gather [hbm4b:s1+s5], $0x80, v6, vm0, $0xb8;
	[tilespmem:$0x1CE00] =	vst v63  }
0x176: {  	v5 =	vld [tilespmem:s31+$0x10];
	_ =	sdelay $0x4  }
0x177: {  	v6 =	vshll.u32 v5, $0x1  }
0x178: {  	v5 =	vand.u32 $0x7, v5;
	v6 =	vand.u32 $0xFFFFFFF0, v6  }
0x179: {  	v5 =	vor.u32 v5, v6  }
0x17a: {  	v6 =	vperm.xlane v5, v0;
	_ =	sdelay $0x1  }
0x17b: {  	v5 =	vperm.xlane v5, v3;
	v6 =	vadd.s32 v1, v6;
	_ =	sdelay $0x1  }
0x17c: {  	v5 =	vadd.s32 v1, v5;
	_ =	sdelay $0x2  }
0x17d: {  	[tilespmem:s9], [sflag:$0x1] =	stream.indirect_vreg.gather [hbm4b:s1+s5], $0x80, v6, vm0, $0xb8;
	[tilespmem:$0x1CE00] =	vst v63  }
0x17e: {  	_ = 	snop  }
0x17f: {  	[tilespmem:s3], [sflag:$0x1] =	stream.indirect_vreg.gather [hbm4b:s1+s5], $0x80, v5, vm0, $0xb8;
	[tilespmem:$0x1CE00] =	vst v63  }
0x180: {  	v5 =	vld [tilespmem:s31+$0x20];
	_ =	sdelay $0x4  }
0x181: {  	v6 =	vshll.u32 v5, $0x1  }
0x182: {  	v5 =	vand.u32 $0x7, v5;
	v6 =	vand.u32 $0xFFFFFFF0, v6  }
0x183: {  	v5 =	vor.u32 v5, v6  }
0x184: {  	v6 =	vperm.xlane v5, v0;
	_ =	sdelay $0x1  }
0x185: {  	v5 =	vperm.xlane v5, v3;
	v6 =	vadd.s32 v1, v6;
	_ =	sdelay $0x1  }
0x186: {  	v5 =	vadd.s32 v1, v5;
	_ =	sdelay $0x1  }
0x187: {  	s10 =	sadd.s32 $0x2E00, s8  }
0x188: {  	[tilespmem:s10], [sflag:$0x1] =	stream.indirect_vreg.gather [hbm4b:s1+s5], $0x80, v6, vm0, $0xb8;
	[tilespmem:$0x1CE00] =	vst v63  }
0x189: {  	s11 =	sadd.s32 $0x3600, s8  }
0x18a: {  	[tilespmem:s11], [sflag:$0x1] =	stream.indirect_vreg.gather [hbm4b:s1+s5], $0x80, v5, vm0, $0xb8;
	[tilespmem:$0x1CE00] =	vst v63  }
0x18b: {  	v5 =	vld [tilespmem:s31+$0x30];
	_ =	sdelay $0x4  }
0x18c: {  	v6 =	vshll.u32 v5, $0x1  }
0x18d: {  	v5 =	vand.u32 $0x7, v5;
	v6 =	vand.u32 $0xFFFFFFF0, v6  }
0x18e: {  	v5 =	vor.u32 v5, v6  }
0x18f: {  	v6 =	vperm.xlane v5, v0;
	_ =	sdelay $0x1  }
0x190: {  	v5 =	vperm.xlane v5, v3;
	v6 =	vadd.s32 v1, v6;
	_ =	sdelay $0x1  }
0x191: {  	v5 =	vadd.s32 v1, v5;
	_ =	sdelay $0x1  }
0x192: {  	s12 =	sadd.s32 $0x3E00, s8  }
0x193: {  	[tilespmem:s12], [sflag:$0x1] =	stream.indirect_vreg.gather [hbm4b:s1+s5], $0x80, v6, vm0, $0xb8;
	[tilespmem:$0x1CE00] =	vst v63  }
0x194: {  	s13 =	sadd.s32 $0x4600, s8  }
0x195: {  	[tilespmem:s13], [sflag:$0x1] =	stream.indirect_vreg.gather [hbm4b:s1+s5], $0x80, v5, vm0, $0xb8;
	[tilespmem:$0x1CE00] =	vst v63  }
0x196: {  	v5 =	vld [tilespmem:s31+$0x40];
	_ =	sdelay $0x4  }
0x197: {  	v6 =	vshll.u32 v5, $0x1  }
0x198: {  	v5 =	vand.u32 $0x7, v5;
	v6 =	vand.u32 $0xFFFFFFF0, v6  }
0x199: {  	v5 =	vor.u32 v5, v6  }
0x19a: {  	v6 =	vperm.xlane v5, v0;
	_ =	sdelay $0x1  }
0x19b: {  	v5 =	vperm.xlane v5, v3;
	v6 =	vadd.s32 v1, v6;
	_ =	sdelay $0x1  }
0x19c: {  	v5 =	vadd.s32 v1, v5;
	_ =	sdelay $0x1  }
0x19d: {  	s22 =	sadd.s32 $0x4E00, s8  }
0x19e: {  	[tilespmem:s22], [sflag:$0x1] =	stream.indirect_vreg.gather [hbm4b:s1+s5], $0x80, v6, vm0, $0xb8;
	[tilespmem:$0x1CE00] =	vst v63  }
0x19f: {  	s23 =	sadd.s32 $0x5600, s8  }
0x1a0: {  	[tilespmem:s23], [sflag:$0x1] =	stream.indirect_vreg.gather [hbm4b:s1+s5], $0x80, v5, vm0, $0xb8;
	[tilespmem:$0x1CE00] =	vst v63  }
0x1a1: {  	v5 =	vld [tilespmem:s31+$0x50];
	_ =	sdelay $0x4  }
0x1a2: {  	v6 =	vshll.u32 v5, $0x1  }
0x1a3: {  	v5 =	vand.u32 $0x7, v5;
	v6 =	vand.u32 $0xFFFFFFF0, v6  }
0x1a4: {  	v5 =	vor.u32 v5, v6  }
0x1a5: {  	v6 =	vperm.xlane v5, v0;
	_ =	sdelay $0x1  }
0x1a6: {  	v5 =	vperm.xlane v5, v3;
	v6 =	vadd.s32 v1, v6;
	_ =	sdelay $0x1  }
0x1a7: {  	v5 =	vadd.s32 v1, v5  }
.Ltmp7:
0x1a8: {  	_ = 	snop;
	(pc) =	sbr.rel .LBB2_16-.Ltmp7, $4  }
0x1a9: {  	s24 =	sadd.s32 $0x5E00, s8  }
0x1aa: {  	[tilespmem:s24], [sflag:$0x1] =	stream.indirect_vreg.gather [hbm4b:s1+s5], $0x80, v6, vm0, $0xb8;
	[tilespmem:$0x1CE00] =	vst v63  }
0x1ab: {  	s29 =	sadd.s32 $0x6600, s8;
	s8 =	smov.u32 s17;
	s3 =	simm.s32 $0x1  }
0x1ac: {  	[tilespmem:s29], [sflag:$0x1] =	stream.indirect_vreg.gather [hbm4b:s1+s5], $0x80, v5, vm0, $0xb8;
	[tilespmem:$0x1CE00] =	vst v63  }
.LBB2_12:
0x1ad: {  	p1 =	sne.s32 @!p0 s18, $0x6  }
0x1ae: {  	p1 =	por p0, p1  }
.Ltmp8:
0x1af: {  	_ = 	snop;
	(pc) =	sbr.rel @p1 .LBB2_17-.Ltmp8, $1  }
0x1b0: {  	_ =	sdelay $0x3  }
0x1b1: {  	v5 =	vld [tilespmem:s31+$0x70];
	_ =	sdelay $0x4  }
0x1b2: {  	s3 =	smul.u32 $0x1C000, s3;
	p1 =	sne.s32 s9, $0x0;
	v6 =	vshll.u32 v5, $0x1  }
.Ltmp9:
0x1b3: {  	v5 =	vand.u32 $0x7, v5;
	v6 =	vand.u32 $0xFFFFFFF0, v6;
	(pc) =	sbr.rel @p1 .LBB2_15-.Ltmp9, $4  }
0x1b4: {  	v5 =	vor.u32 v5, v6  }
0x1b5: {  	s8 =	sshra.s32 s3, $0x2;
	v6 =	vperm.xlane v5, v0;
	v5 =	vperm.xlane v5, v3  }
0x1b6: {  	s20 =	sor.u32 $0xE00, s8  }
0x1b7: {  	s10 =	sadd.s32 $0x1600, s8;
	s9 =	sadd.s32 $0x1E00, s8;
	s3 =	sadd.s32 $0x2600, s8;
	v6 =	vadd.s32 v1, v6;
	v5 =	vadd.s32 v1, v5  }
0x1b8: {  	_ =	sdelay $0x3  }
0x1b9: {  	[tilespmem:s20], [sflag:$0x1] =	stream.indirect_vreg.gather [hbm4b:s1+s5], $0x80, v6, vm0, $0xb8;
	[tilespmem:$0x1CE00] =	vst v63  }
0x1ba: {  	_ = 	snop  }
0x1bb: {  	[tilespmem:s10], [sflag:$0x1] =	stream.indirect_vreg.gather [hbm4b:s1+s5], $0x80, v5, vm0, $0xb8;
	[tilespmem:$0x1CE00] =	vst v63  }
0x1bc: {  	v5 =	vld [tilespmem:s31+$0x80];
	_ =	sdelay $0x4  }
0x1bd: {  	v6 =	vshll.u32 v5, $0x1  }
0x1be: {  	v5 =	vand.u32 $0x7, v5;
	v6 =	vand.u32 $0xFFFFFFF0, v6  }
0x1bf: {  	v5 =	vor.u32 v5, v6  }
0x1c0: {  	v6 =	vperm.xlane v5, v0;
	_ =	sdelay $0x1  }
0x1c1: {  	v5 =	vperm.xlane v5, v3;
	v6 =	vadd.s32 v1, v6;
	_ =	sdelay $0x1  }
0x1c2: {  	v5 =	vadd.s32 v1, v5;
	_ =	sdelay $0x2  }
0x1c3: {  	[tilespmem:s9], [sflag:$0x1] =	stream.indirect_vreg.gather [hbm4b:s1+s5], $0x80, v6, vm0, $0xb8;
	[tilespmem:$0x1CE00] =	vst v63  }
0x1c4: {  	_ = 	snop  }
0x1c5: {  	[tilespmem:s3], [sflag:$0x1] =	stream.indirect_vreg.gather [hbm4b:s1+s5], $0x80, v5, vm0, $0xb8;
	[tilespmem:$0x1CE00] =	vst v63  }
0x1c6: {  	v5 =	vld [tilespmem:s31+$0x90];
	_ =	sdelay $0x4  }
0x1c7: {  	v6 =	vshll.u32 v5, $0x1  }
0x1c8: {  	v5 =	vand.u32 $0x7, v5;
	v6 =	vand.u32 $0xFFFFFFF0, v6  }
0x1c9: {  	v5 =	vor.u32 v5, v6  }
0x1ca: {  	v6 =	vperm.xlane v5, v0;
	_ =	sdelay $0x1  }
0x1cb: {  	v5 =	vperm.xlane v5, v3;
	v6 =	vadd.s32 v1, v6;
	_ =	sdelay $0x1  }
0x1cc: {  	v5 =	vadd.s32 v1, v5;
	_ =	sdelay $0x1  }
0x1cd: {  	s10 =	sadd.s32 $0x2E00, s8  }
0x1ce: {  	[tilespmem:s10], [sflag:$0x1] =	stream.indirect_vreg.gather [hbm4b:s1+s5], $0x80, v6, vm0, $0xb8;
	[tilespmem:$0x1CE00] =	vst v63  }
0x1cf: {  	s11 =	sadd.s32 $0x3600, s8  }
0x1d0: {  	[tilespmem:s11], [sflag:$0x1] =	stream.indirect_vreg.gather [hbm4b:s1+s5], $0x80, v5, vm0, $0xb8;
	[tilespmem:$0x1CE00] =	vst v63  }
0x1d1: {  	v5 =	vld [tilespmem:s31+$0xA0];
	_ =	sdelay $0x4  }
0x1d2: {  	v6 =	vshll.u32 v5, $0x1  }
0x1d3: {  	v5 =	vand.u32 $0x7, v5;
	v6 =	vand.u32 $0xFFFFFFF0, v6  }
0x1d4: {  	v5 =	vor.u32 v5, v6  }
0x1d5: {  	v6 =	vperm.xlane v5, v0;
	_ =	sdelay $0x1  }
0x1d6: {  	v5 =	vperm.xlane v5, v3;
	v6 =	vadd.s32 v1, v6;
	_ =	sdelay $0x1  }
0x1d7: {  	v5 =	vadd.s32 v1, v5;
	_ =	sdelay $0x1  }
0x1d8: {  	s12 =	sadd.s32 $0x3E00, s8  }
0x1d9: {  	[tilespmem:s12], [sflag:$0x1] =	stream.indirect_vreg.gather [hbm4b:s1+s5], $0x80, v6, vm0, $0xb8;
	[tilespmem:$0x1CE00] =	vst v63  }
0x1da: {  	s13 =	sadd.s32 $0x4600, s8  }
0x1db: {  	[tilespmem:s13], [sflag:$0x1] =	stream.indirect_vreg.gather [hbm4b:s1+s5], $0x80, v5, vm0, $0xb8;
	[tilespmem:$0x1CE00] =	vst v63  }
0x1dc: {  	v5 =	vld [tilespmem:s31+$0xB0];
	_ =	sdelay $0x4  }
0x1dd: {  	v6 =	vshll.u32 v5, $0x1  }
0x1de: {  	v5 =	vand.u32 $0x7, v5;
	v6 =	vand.u32 $0xFFFFFFF0, v6  }
0x1df: {  	v5 =	vor.u32 v5, v6  }
0x1e0: {  	v6 =	vperm.xlane v5, v0;
	_ =	sdelay $0x1  }
0x1e1: {  	v5 =	vperm.xlane v5, v3;
	v6 =	vadd.s32 v1, v6;
	_ =	sdelay $0x1  }
0x1e2: {  	v5 =	vadd.s32 v1, v5;
	_ =	sdelay $0x1  }
0x1e3: {  	s22 =	sadd.s32 $0x4E00, s8  }
0x1e4: {  	[tilespmem:s22], [sflag:$0x1] =	stream.indirect_vreg.gather [hbm4b:s1+s5], $0x80, v6, vm0, $0xb8;
	[tilespmem:$0x1CE00] =	vst v63  }
0x1e5: {  	s23 =	sadd.s32 $0x5600, s8  }
0x1e6: {  	[tilespmem:s23], [sflag:$0x1] =	stream.indirect_vreg.gather [hbm4b:s1+s5], $0x80, v5, vm0, $0xb8;
	[tilespmem:$0x1CE00] =	vst v63  }
0x1e7: {  	v5 =	vld [tilespmem:s31+$0xC0];
	_ =	sdelay $0x4  }
0x1e8: {  	v6 =	vshll.u32 v5, $0x1  }
0x1e9: {  	v5 =	vand.u32 $0x7, v5;
	v6 =	vand.u32 $0xFFFFFFF0, v6  }
0x1ea: {  	v5 =	vor.u32 v5, v6  }
0x1eb: {  	v6 =	vperm.xlane v5, v0;
	_ =	sdelay $0x1  }
0x1ec: {  	v5 =	vperm.xlane v5, v3;
	v6 =	vadd.s32 v1, v6;
	_ =	sdelay $0x1  }
0x1ed: {  	v5 =	vadd.s32 v1, v5  }
.Ltmp10:
0x1ee: {  	_ = 	snop;
	(pc) =	sbr.rel .LBB2_16-.Ltmp10, $4  }
0x1ef: {  	s24 =	sadd.s32 $0x5E00, s8  }
0x1f0: {  	[tilespmem:s24], [sflag:$0x1] =	stream.indirect_vreg.gather [hbm4b:s1+s5], $0x80, v6, vm0, $0xb8;
	[tilespmem:$0x1CE00] =	vst v63  }
0x1f1: {  	s29 =	sadd.s32 $0x6600, s8;
	s8 =	smov.u32 s16;
	s3 =	simm.s32 $0x1  }
0x1f2: {  	[tilespmem:s29], [sflag:$0x1] =	stream.indirect_vreg.gather [hbm4b:s1+s5], $0x80, v5, vm0, $0xb8;
	[tilespmem:$0x1CE00] =	vst v63  }
.LBB2_11:
0x1f3: {  	_ =	sdelay $0x3  }
0x1f4: {  	[tilespmem:s20], [sflag:$0x2] =	stream.indirect_vreg.gather [hbm4b:s1+s5], $0x80, v5, vm0, $0xb8;
	[tilespmem:$0x1CE00] =	vst v63  }
0x1f5: {  	_ = 	snop  }
0x1f6: {  	[tilespmem:s10], [sflag:$0x2] =	stream.indirect_vreg.gather [hbm4b:s1+s5], $0x80, v6, vm0, $0xb8;
	[tilespmem:$0x1CE00] =	vst v63  }
0x1f7: {  	v5 =	vld [tilespmem:s31+$0x10];
	_ =	sdelay $0x4  }
0x1f8: {  	v6 =	vshll.u32 v5, $0x1  }
0x1f9: {  	v5 =	vand.u32 $0x7, v5;
	v6 =	vand.u32 $0xFFFFFFF0, v6  }
0x1fa: {  	v5 =	vor.u32 v5, v6  }
0x1fb: {  	v6 =	vperm.xlane v5, v0;
	_ =	sdelay $0x1  }
0x1fc: {  	v5 =	vperm.xlane v5, v3;
	v6 =	vadd.s32 v1, v6;
	_ =	sdelay $0x1  }
0x1fd: {  	v5 =	vadd.s32 v1, v5;
	_ =	sdelay $0x2  }
0x1fe: {  	[tilespmem:s9], [sflag:$0x2] =	stream.indirect_vreg.gather [hbm4b:s1+s5], $0x80, v6, vm0, $0xb8;
	[tilespmem:$0x1CE00] =	vst v63  }
0x1ff: {  	_ = 	snop  }
0x200: {  	[tilespmem:s3], [sflag:$0x2] =	stream.indirect_vreg.gather [hbm4b:s1+s5], $0x80, v5, vm0, $0xb8;
	[tilespmem:$0x1CE00] =	vst v63  }
0x201: {  	v5 =	vld [tilespmem:s31+$0x20];
	_ =	sdelay $0x4  }
0x202: {  	v6 =	vshll.u32 v5, $0x1  }
0x203: {  	v5 =	vand.u32 $0x7, v5;
	v6 =	vand.u32 $0xFFFFFFF0, v6  }
0x204: {  	v5 =	vor.u32 v5, v6  }
0x205: {  	v6 =	vperm.xlane v5, v0;
	_ =	sdelay $0x1  }
0x206: {  	v5 =	vperm.xlane v5, v3;
	v6 =	vadd.s32 v1, v6;
	_ =	sdelay $0x1  }
0x207: {  	v5 =	vadd.s32 v1, v5;
	_ =	sdelay $0x1  }
0x208: {  	s10 =	sadd.s32 $0x2E00, s8  }
0x209: {  	[tilespmem:s10], [sflag:$0x2] =	stream.indirect_vreg.gather [hbm4b:s1+s5], $0x80, v6, vm0, $0xb8;
	[tilespmem:$0x1CE00] =	vst v63  }
0x20a: {  	s11 =	sadd.s32 $0x3600, s8  }
0x20b: {  	[tilespmem:s11], [sflag:$0x2] =	stream.indirect_vreg.gather [hbm4b:s1+s5], $0x80, v5, vm0, $0xb8;
	[tilespmem:$0x1CE00] =	vst v63  }
0x20c: {  	v5 =	vld [tilespmem:s31+$0x30];
	_ =	sdelay $0x4  }
0x20d: {  	v6 =	vshll.u32 v5, $0x1  }
0x20e: {  	v5 =	vand.u32 $0x7, v5;
	v6 =	vand.u32 $0xFFFFFFF0, v6  }
0x20f: {  	v5 =	vor.u32 v5, v6  }
0x210: {  	v6 =	vperm.xlane v5, v0;
	_ =	sdelay $0x1  }
0x211: {  	v5 =	vperm.xlane v5, v3;
	v6 =	vadd.s32 v1, v6;
	_ =	sdelay $0x1  }
0x212: {  	v5 =	vadd.s32 v1, v5;
	_ =	sdelay $0x1  }
0x213: {  	s12 =	sadd.s32 $0x3E00, s8  }
0x214: {  	[tilespmem:s12], [sflag:$0x2] =	stream.indirect_vreg.gather [hbm4b:s1+s5], $0x80, v6, vm0, $0xb8;
	[tilespmem:$0x1CE00] =	vst v63  }
0x215: {  	s13 =	sadd.s32 $0x4600, s8  }
0x216: {  	[tilespmem:s13], [sflag:$0x2] =	stream.indirect_vreg.gather [hbm4b:s1+s5], $0x80, v5, vm0, $0xb8;
	[tilespmem:$0x1CE00] =	vst v63  }
0x217: {  	v5 =	vld [tilespmem:s31+$0x40];
	_ =	sdelay $0x4  }
0x218: {  	v6 =	vshll.u32 v5, $0x1  }
0x219: {  	v5 =	vand.u32 $0x7, v5;
	v6 =	vand.u32 $0xFFFFFFF0, v6  }
0x21a: {  	v5 =	vor.u32 v5, v6  }
0x21b: {  	v6 =	vperm.xlane v5, v0;
	_ =	sdelay $0x1  }
0x21c: {  	v5 =	vperm.xlane v5, v3;
	v6 =	vadd.s32 v1, v6;
	_ =	sdelay $0x1  }
0x21d: {  	v5 =	vadd.s32 v1, v5;
	_ =	sdelay $0x1  }
0x21e: {  	s22 =	sadd.s32 $0x4E00, s8  }
0x21f: {  	[tilespmem:s22], [sflag:$0x2] =	stream.indirect_vreg.gather [hbm4b:s1+s5], $0x80, v6, vm0, $0xb8;
	[tilespmem:$0x1CE00] =	vst v63  }
0x220: {  	s23 =	sadd.s32 $0x5600, s8  }
0x221: {  	[tilespmem:s23], [sflag:$0x2] =	stream.indirect_vreg.gather [hbm4b:s1+s5], $0x80, v5, vm0, $0xb8;
	[tilespmem:$0x1CE00] =	vst v63  }
0x222: {  	v5 =	vld [tilespmem:s31+$0x50];
	_ =	sdelay $0x4  }
0x223: {  	v6 =	vshll.u32 v5, $0x1  }
0x224: {  	v5 =	vand.u32 $0x7, v5;
	v6 =	vand.u32 $0xFFFFFFF0, v6  }
0x225: {  	v5 =	vor.u32 v5, v6  }
0x226: {  	v6 =	vperm.xlane v5, v0;
	_ =	sdelay $0x1  }
0x227: {  	v5 =	vperm.xlane v5, v3;
	v6 =	vadd.s32 v1, v6;
	_ =	sdelay $0x1  }
0x228: {  	v5 =	vadd.s32 v1, v5  }
.Ltmp11:
0x229: {  	_ = 	snop;
	(pc) =	sbr.rel .LBB2_16-.Ltmp11, $4  }
0x22a: {  	s24 =	sadd.s32 $0x5E00, s8  }
0x22b: {  	[tilespmem:s24], [sflag:$0x2] =	stream.indirect_vreg.gather [hbm4b:s1+s5], $0x80, v6, vm0, $0xb8;
	[tilespmem:$0x1CE00] =	vst v63  }
0x22c: {  	s29 =	sadd.s32 $0x6600, s8;
	s8 =	smov.u32 s17;
	s3 =	simm.s32 $0x2  }
0x22d: {  	[tilespmem:s29], [sflag:$0x2] =	stream.indirect_vreg.gather [hbm4b:s1+s5], $0x80, v5, vm0, $0xb8;
	[tilespmem:$0x1CE00] =	vst v63  }
.LBB2_15:
0x22e: {  	_ =	sdelay $0x3  }
0x22f: {  	[tilespmem:s20], [sflag:$0x2] =	stream.indirect_vreg.gather [hbm4b:s1+s5], $0x80, v6, vm0, $0xb8;
	[tilespmem:$0x1CE00] =	vst v63  }
0x230: {  	_ = 	snop  }
0x231: {  	[tilespmem:s10], [sflag:$0x2] =	stream.indirect_vreg.gather [hbm4b:s1+s5], $0x80, v5, vm0, $0xb8;
	[tilespmem:$0x1CE00] =	vst v63  }
0x232: {  	v5 =	vld [tilespmem:s31+$0x80];
	_ =	sdelay $0x4  }
0x233: {  	v6 =	vshll.u32 v5, $0x1  }
0x234: {  	v5 =	vand.u32 $0x7, v5;
	v6 =	vand.u32 $0xFFFFFFF0, v6  }
0x235: {  	v5 =	vor.u32 v5, v6  }
0x236: {  	v6 =	vperm.xlane v5, v0;
	_ =	sdelay $0x1  }
0x237: {  	v5 =	vperm.xlane v5, v3;
	v6 =	vadd.s32 v1, v6;
	_ =	sdelay $0x1  }
0x238: {  	v5 =	vadd.s32 v1, v5;
	_ =	sdelay $0x2  }
0x239: {  	[tilespmem:s9], [sflag:$0x2] =	stream.indirect_vreg.gather [hbm4b:s1+s5], $0x80, v6, vm0, $0xb8;
	[tilespmem:$0x1CE00] =	vst v63  }
0x23a: {  	_ = 	snop  }
0x23b: {  	[tilespmem:s3], [sflag:$0x2] =	stream.indirect_vreg.gather [hbm4b:s1+s5], $0x80, v5, vm0, $0xb8;
	[tilespmem:$0x1CE00] =	vst v63  }
0x23c: {  	v5 =	vld [tilespmem:s31+$0x90];
	_ =	sdelay $0x4  }
0x23d: {  	v6 =	vshll.u32 v5, $0x1  }
0x23e: {  	v5 =	vand.u32 $0x7, v5;
	v6 =	vand.u32 $0xFFFFFFF0, v6  }
0x23f: {  	v5 =	vor.u32 v5, v6  }
0x240: {  	v6 =	vperm.xlane v5, v0;
	_ =	sdelay $0x1  }
0x241: {  	v5 =	vperm.xlane v5, v3;
	v6 =	vadd.s32 v1, v6;
	_ =	sdelay $0x1  }
0x242: {  	v5 =	vadd.s32 v1, v5;
	_ =	sdelay $0x1  }
0x243: {  	s10 =	sadd.s32 $0x2E00, s8  }
0x244: {  	[tilespmem:s10], [sflag:$0x2] =	stream.indirect_vreg.gather [hbm4b:s1+s5], $0x80, v6, vm0, $0xb8;
	[tilespmem:$0x1CE00] =	vst v63  }
0x245: {  	s11 =	sadd.s32 $0x3600, s8  }
0x246: {  	[tilespmem:s11], [sflag:$0x2] =	stream.indirect_vreg.gather [hbm4b:s1+s5], $0x80, v5, vm0, $0xb8;
	[tilespmem:$0x1CE00] =	vst v63  }
0x247: {  	v5 =	vld [tilespmem:s31+$0xA0];
	_ =	sdelay $0x4  }
0x248: {  	v6 =	vshll.u32 v5, $0x1  }
0x249: {  	v5 =	vand.u32 $0x7, v5;
	v6 =	vand.u32 $0xFFFFFFF0, v6  }
0x24a: {  	v5 =	vor.u32 v5, v6  }
0x24b: {  	v6 =	vperm.xlane v5, v0;
	_ =	sdelay $0x1  }
0x24c: {  	v5 =	vperm.xlane v5, v3;
	v6 =	vadd.s32 v1, v6;
	_ =	sdelay $0x1  }
0x24d: {  	v5 =	vadd.s32 v1, v5;
	_ =	sdelay $0x1  }
0x24e: {  	s12 =	sadd.s32 $0x3E00, s8  }
0x24f: {  	[tilespmem:s12], [sflag:$0x2] =	stream.indirect_vreg.gather [hbm4b:s1+s5], $0x80, v6, vm0, $0xb8;
	[tilespmem:$0x1CE00] =	vst v63  }
0x250: {  	s13 =	sadd.s32 $0x4600, s8  }
0x251: {  	[tilespmem:s13], [sflag:$0x2] =	stream.indirect_vreg.gather [hbm4b:s1+s5], $0x80, v5, vm0, $0xb8;
	[tilespmem:$0x1CE00] =	vst v63  }
0x252: {  	v5 =	vld [tilespmem:s31+$0xB0];
	_ =	sdelay $0x4  }
0x253: {  	v6 =	vshll.u32 v5, $0x1  }
0x254: {  	v5 =	vand.u32 $0x7, v5;
	v6 =	vand.u32 $0xFFFFFFF0, v6  }
0x255: {  	v5 =	vor.u32 v5, v6  }
0x256: {  	v6 =	vperm.xlane v5, v0;
	_ =	sdelay $0x1  }
0x257: {  	v5 =	vperm.xlane v5, v3;
	v6 =	vadd.s32 v1, v6;
	_ =	sdelay $0x1  }
0x258: {  	v5 =	vadd.s32 v1, v5;
	_ =	sdelay $0x1  }
0x259: {  	s22 =	sadd.s32 $0x4E00, s8  }
0x25a: {  	[tilespmem:s22], [sflag:$0x2] =	stream.indirect_vreg.gather [hbm4b:s1+s5], $0x80, v6, vm0, $0xb8;
	[tilespmem:$0x1CE00] =	vst v63  }
0x25b: {  	s23 =	sadd.s32 $0x5600, s8  }
0x25c: {  	[tilespmem:s23], [sflag:$0x2] =	stream.indirect_vreg.gather [hbm4b:s1+s5], $0x80, v5, vm0, $0xb8;
	[tilespmem:$0x1CE00] =	vst v63  }
0x25d: {  	v5 =	vld [tilespmem:s31+$0xC0];
	_ =	sdelay $0x4  }
0x25e: {  	v6 =	vshll.u32 v5, $0x1  }
0x25f: {  	v5 =	vand.u32 $0x7, v5;
	v6 =	vand.u32 $0xFFFFFFF0, v6  }
0x260: {  	v5 =	vor.u32 v5, v6  }
0x261: {  	v6 =	vperm.xlane v5, v0;
	_ =	sdelay $0x1  }
0x262: {  	v5 =	vperm.xlane v5, v3;
	v6 =	vadd.s32 v1, v6;
	_ =	sdelay $0x1  }
0x263: {  	v5 =	vadd.s32 v1, v5;
	_ =	sdelay $0x1  }
0x264: {  	s24 =	sadd.s32 $0x5E00, s8  }
0x265: {  	[tilespmem:s24], [sflag:$0x2] =	stream.indirect_vreg.gather [hbm4b:s1+s5], $0x80, v6, vm0, $0xb8;
	[tilespmem:$0x1CE00] =	vst v63  }
0x266: {  	s29 =	sadd.s32 $0x6600, s8;
	s8 =	smov.u32 s16;
	s3 =	simm.s32 $0x2  }
0x267: {  	[tilespmem:s29], [sflag:$0x2] =	stream.indirect_vreg.gather [hbm4b:s1+s5], $0x80, v5, vm0, $0xb8;
	[tilespmem:$0x1CE00] =	vst v63  }
.LBB2_16:
0x268: {  	v5 =	vld [tilespmem:s8+$0x0];
	_ =	sdelay $0x4  }
0x269: {  	v6 =	vshll.u32 v5, $0x1  }
0x26a: {  	v5 =	vand.u32 $0x7, v5;
	v6 =	vand.u32 $0xFFFFFFF0, v6  }
0x26b: {  	v5 =	vor.u32 v5, v6  }
0x26c: {  	v6 =	vperm.xlane v5, v0;
	_ =	sdelay $0x1  }
0x26d: {  	v5 =	vperm.xlane v5, v2;
	v6 =	vadd.s32 v1, v6;
	_ =	sdelay $0x1  }
0x26e: {  	v5 =	vadd.s32 v1, v5;
	_ =	sdelay $0x1  }
0x26f: {  	s24 =	sadd.s32 $0x6000, s20  }
0x270: {  	[tilespmem:s24], [sflag:s3] =	stream.indirect_vreg.gather [hbm4b:s1+s5], $0x80, v6, vm0, $0xb8;
	[tilespmem:$0x1CE00] =	vst v63  }
0x271: {  	s29 =	sadd.s32 $0x6800, s20  }
0x272: {  	[tilespmem:s29], [sflag:s3] =	stream.indirect_vreg.gather [hbm4b:s1+s5], $0x80, v5, vm0, $0xb8;
	[tilespmem:$0x1CE00] =	vst v63  }
.LBB2_17:
0x273: {  	s3 =	smulhi.u32 $0xAAAAAAAB, s19;
	_ =	sdelay $0x1  }
0x274: {  	s3 =	sshrl.u32 s3, $0x1  }
0x275: {  	s3 =	smul.u32 $0x3, s3;
	_ =	sdelay $0x1  }
0x276: {  	s3 =	ssub.s32 s19, s3  }
0x277: {  	s3 =	smul.u32 $0x1C000, s3;
	_ =	sdelay $0x1  }
0x278: {  	s3 =	sshra.s32 s3, $0x2  }
0x279: {  	s22 =	simm.s32 $0x0;
	s19 =	smul.u32 $0x7, s18;
	s20 =	sor.u32 $0xE00, s3  }
.LBB2_18:
0x27a: {  	_ = 	snop  }
0x27b: {  	s10 =	sshll.u32 s22, $0xC;
	s8 =	sadd.s32 s19, s22  }
0x27c: {  	s10 =	sand.u32 $0x3FFFF000, s10;
	s3 =	sshll.u32 s8, $0x4  }
0x27d: {  	s23 =	sadd.s32 s10, s20;
	s9 =	sadd.s32 s0, s3  }
0x27e: {  	s10 =	sand.u32 $0x400, s21;
	s3 =	sand.u32 $0x70, s3;
	s9 =	sand.u32 $0xF80, s9  }
0x27f: {  	s13 =	sand.u32 $0x70, s21;
	s11 =	sadd.s32 s10, s23;
	s3 =	sor.u32 s3, s9  }
0x280: {  	s12 =	sadd.s32 s13, s11;
	v20 =	vld [tilespmem:s3+$0x700]  }
0x281: {  	v8 =	vld [tilespmem:s12+$0x0]  }
0x282: {  	v9 =	vld [tilespmem:s12+$0x80];
	_ =	sdelay $0x1  }
0x283: {  	v10 =	vld [tilespmem:s12+$0x100]  }
0x284: {  	v6 =	vbroadcast v20, $0x0;
	v7 =	vbroadcast v20, $0x1  }
0x285: {  	v11 =	vld [tilespmem:s12+$0x180];
	v5 =	vbroadcast v20, $0x2  }
0x286: {  	v12 =	vmul.f32 v8, v6;
	v9 =	vmul.f32 v9, v7  }
0x287: {  	v13 =	vld [tilespmem:s12+$0x200]  }
0x288: {  	v8 =	vbroadcast v20, $0x3;
	v10 =	vmul.f32 v10, v5;
	v12 =	vadd.f32 v9, v12  }
0x289: {  	v14 =	vld [tilespmem:s12+$0x280]  }
0x28a: {  	v9 =	vbroadcast v20, $0x4;
	v11 =	vmul.f32 v11, v8;
	v12 =	vadd.f32 v10, v12  }
0x28b: {  	v15 =	vld [tilespmem:s12+$0x300]  }
0x28c: {  	s11 =	sadd.s32 $0x800, s23;
	v10 =	vbroadcast v20, $0x5;
	v13 =	vmul.f32 v13, v9;
	v12 =	vadd.f32 v11, v12  }
0x28d: {  	v16 =	vld [tilespmem:s12+$0x380];
	s24 =	sadd.s32 s10, s11  }
0x28e: {  	s9 =	sadd.s32 s13, s24;
	v11 =	vbroadcast v20, $0x6;
	v14 =	vmul.f32 v14, v10;
	v13 =	vadd.f32 v13, v12  }
0x28f: {  	v17 =	vld [tilespmem:s9+$0x0]  }
0x290: {  	v12 =	vbroadcast v20, $0x7;
	v15 =	vmul.f32 v15, v11;
	v14 =	vadd.f32 v14, v13  }
0x291: {  	v18 =	vld [tilespmem:s12+$0x880]  }
0x292: {  	v13 =	vbroadcast v20, $0x8;
	v16 =	vmul.f32 v16, v12;
	v15 =	vadd.f32 v15, v14  }
0x293: {  	v19 =	vld [tilespmem:s12+$0x900]  }
0x294: {  	v14 =	vbroadcast v20, $0x9;
	v17 =	vmul.f32 v17, v13;
	v16 =	vadd.f32 v16, v15  }
0x295: {  	v21 =	vld [tilespmem:s12+$0x980]  }
0x296: {  	v15 =	vbroadcast v20, $0xA;
	v18 =	vmul.f32 v18, v14;
	v17 =	vadd.f32 v17, v16  }
0x297: {  	v22 =	vld [tilespmem:s12+$0xA00]  }
0x298: {  	v16 =	vbroadcast v20, $0xB;
	v19 =	vmul.f32 v19, v15;
	v18 =	vadd.f32 v18, v17  }
0x299: {  	v23 =	vld [tilespmem:s12+$0xA80]  }
0x29a: {  	v17 =	vbroadcast v20, $0xC;
	v21 =	vmul.f32 v21, v16;
	v19 =	vadd.f32 v19, v18  }
0x29b: {  	v24 =	vld [tilespmem:s12+$0xB00]  }
0x29c: {  	v18 =	vbroadcast v20, $0xD;
	v22 =	vmul.f32 v22, v17;
	v21 =	vadd.f32 v21, v19  }
0x29d: {  	v25 =	vld [tilespmem:s12+$0xB80]  }
0x29e: {  	v19 =	vbroadcast v20, $0xE;
	v21 =	vadd.f32 v22, v21;
	v22 =	vmul.f32 v23, v18;
	_ =	sdelay $0x1  }
0x29f: {  	s12 =	sshll.u32 s8, $0x8;
	v20 =	vbroadcast v20, $0xF;
	v21 =	vadd.f32 v22, v21;
	v22 =	vmul.f32 v24, v19  }
0x2a0: {  	s8 =	sshll.u32 s8, $0x7;
	s3 =	sand.u32 $0x7800, s12  }
0x2a1: {  	s8 =	sand.u32 $0x380, s8;
	s3 =	sadd.s32 s3, s15;
	v21 =	vadd.f32 v22, v21;
	v22 =	vmul.f32 v25, v20  }
0x2a2: {  	s24 =	simm.s32 $0x10;
	s9 =	simm.s32 $0x80;
	s12 =	sadd.s32 s8, s3  }
0x2a3: {  	s29 =	sand.u32 $0x70, s24;
	s8 =	sand.u32 $0x400, s9;
	s24 =	sadd.s32 s10, s12;
	v21 =	vadd.f32 v22, v21  }
0x2a4: {  	s3 =	sadd.s32 s8, s23;
	s10 =	simm.s32 $0x20;
	s13 =	sadd.s32 s13, s24  }
.LBB2_19:
0x2a5: {  	p1 =	sne.s32 s10, $0xF0;
	s3 =	sadd.s32 s29, s3;
	[tilespmem:s13+$0x0] =	vst v21;
	s13 =	smov.u32 s29  }
0x2a6: {  	v21 =	vld [tilespmem:s3+$0x0]  }
0x2a7: {  	v22 =	vld [tilespmem:s3+$0x80];
	_ =	sdelay $0x1  }
0x2a8: {  	v23 =	vld [tilespmem:s3+$0x100];
	_ =	sdelay $0x1  }
0x2a9: {  	v24 =	vld [tilespmem:s3+$0x180]  }
0x2aa: {  	v21 =	vmul.f32 v21, v6;
	v22 =	vmul.f32 v22, v7  }
0x2ab: {  	v25 =	vld [tilespmem:s3+$0x200]  }
0x2ac: {  	v21 =	vadd.f32 v22, v21;
	v22 =	vmul.f32 v23, v5  }
0x2ad: {  	v23 =	vld [tilespmem:s3+$0x280]  }
0x2ae: {  	v21 =	vadd.f32 v22, v21;
	v22 =	vmul.f32 v24, v8  }
0x2af: {  	v24 =	vld [tilespmem:s3+$0x300]  }
0x2b0: {  	v21 =	vadd.f32 v22, v21;
	v22 =	vmul.f32 v25, v9  }
0x2b1: {  	s24 =	sadd.s32 s8, s11;
	v25 =	vld [tilespmem:s3+$0x380]  }
0x2b2: {  	s24 =	sadd.s32 s13, s24;
	v21 =	vadd.f32 v22, v21;
	v22 =	vmul.f32 v23, v10  }
0x2b3: {  	v23 =	vld [tilespmem:s24+$0x0]  }
0x2b4: {  	v21 =	vadd.f32 v22, v21;
	v22 =	vmul.f32 v24, v11  }
0x2b5: {  	v24 =	vld [tilespmem:s3+$0x880]  }
0x2b6: {  	v21 =	vadd.f32 v22, v21;
	v22 =	vmul.f32 v25, v12  }
0x2b7: {  	v25 =	vld [tilespmem:s3+$0x900]  }
0x2b8: {  	v21 =	vadd.f32 v22, v21;
	v22 =	vmul.f32 v23, v13  }
0x2b9: {  	v23 =	vld [tilespmem:s3+$0x980]  }
0x2ba: {  	v21 =	vadd.f32 v22, v21;
	v22 =	vmul.f32 v24, v14  }
0x2bb: {  	v24 =	vld [tilespmem:s3+$0xA00]  }
0x2bc: {  	v21 =	vadd.f32 v22, v21;
	v22 =	vmul.f32 v25, v15  }
0x2bd: {  	v25 =	vld [tilespmem:s3+$0xA80]  }
0x2be: {  	v21 =	vadd.f32 v22, v21;
	v22 =	vmul.f32 v23, v16  }
0x2bf: {  	v23 =	vld [tilespmem:s3+$0xB00]  }
0x2c0: {  	v21 =	vadd.f32 v22, v21;
	v22 =	vmul.f32 v24, v17  }
0x2c1: {  	v24 =	vld [tilespmem:s3+$0xB80]  }
0x2c2: {  	v21 =	vadd.f32 v22, v21;
	v22 =	vmul.f32 v25, v18;
	_ =	sdelay $0x1  }
0x2c3: {  	v21 =	vadd.f32 v22, v21;
	v22 =	vmul.f32 v23, v19  }
.Ltmp12:
0x2c4: {  	(pc) =	sbr.rel @p1 .LBB2_19-.Ltmp12, $4  }
0x2c5: {  	v21 =	vadd.f32 v22, v21;
	v22 =	vmul.f32 v24, v20  }
0x2c6: {  	s9 =	sadd.s32 $0x80, s9  }
0x2c7: {  	s29 =	sand.u32 $0x70, s10;
	s24 =	sadd.s32 s8, s12;
	s8 =	sand.u32 $0x400, s9;
	v21 =	vadd.f32 v22, v21  }
0x2c8: {  	s10 =	sadd.s32 $0x10, s10;
	s13 =	sadd.s32 s13, s24;
	s3 =	sadd.s32 s8, s23  }
0x2c9: {  	s3 =	sadd.s32 s29, s3;
	[tilespmem:s13+$0x0] =	vst v21  }
0x2ca: {  	v21 =	vld [tilespmem:s3+$0x0]  }
0x2cb: {  	v22 =	vld [tilespmem:s3+$0x80];
	_ =	sdelay $0x1  }
0x2cc: {  	v23 =	vld [tilespmem:s3+$0x100];
	_ =	sdelay $0x1  }
0x2cd: {  	v24 =	vld [tilespmem:s3+$0x180]  }
0x2ce: {  	v6 =	vmul.f32 v21, v6;
	v7 =	vmul.f32 v22, v7  }
0x2cf: {  	v56 =	vld [tilespmem:s3+$0x200]  }
0x2d0: {  	v5 =	vmul.f32 v23, v5;
	v6 =	vadd.f32 v7, v6  }
0x2d1: {  	v7 =	vld [tilespmem:s3+$0x280]  }
0x2d2: {  	v5 =	vadd.f32 v5, v6;
	v6 =	vmul.f32 v24, v8  }
0x2d3: {  	v57 =	vld [tilespmem:s3+$0x300]  }
0x2d4: {  	v5 =	vadd.f32 v6, v5;
	v6 =	vmul.f32 v56, v9  }
0x2d5: {  	s9 =	sadd.s32 s8, s11;
	v58 =	vld [tilespmem:s3+$0x380]  }
0x2d6: {  	s9 =	sadd.s32 s29, s9;
	v5 =	vadd.f32 v6, v5;
	v6 =	vmul.f32 v7, v10  }
0x2d7: {  	v7 =	vld [tilespmem:s9+$0x0]  }
0x2d8: {  	v5 =	vadd.f32 v6, v5;
	v6 =	vmul.f32 v57, v11  }
0x2d9: {  	v59 =	vld [tilespmem:s3+$0x880]  }
0x2da: {  	v5 =	vadd.f32 v6, v5;
	v6 =	vmul.f32 v58, v12  }
0x2db: {  	v60 =	vld [tilespmem:s3+$0x900]  }
0x2dc: {  	v5 =	vadd.f32 v6, v5;
	v6 =	vmul.f32 v7, v13  }
0x2dd: {  	v7 =	vld [tilespmem:s3+$0x980]  }
0x2de: {  	v5 =	vadd.f32 v6, v5;
	v6 =	vmul.f32 v59, v14  }
0x2df: {  	v61 =	vld [tilespmem:s3+$0xA00]  }
0x2e0: {  	v5 =	vadd.f32 v6, v5;
	v6 =	vmul.f32 v60, v15  }
0x2e1: {  	v62 =	vld [tilespmem:s3+$0xA80]  }
0x2e2: {  	v5 =	vadd.f32 v6, v5;
	v6 =	vmul.f32 v7, v16  }
0x2e3: {  	v7 =	vld [tilespmem:s3+$0xB00]  }
0x2e4: {  	v5 =	vadd.f32 v6, v5;
	v6 =	vmul.f32 v61, v17  }
0x2e5: {  	v63 =	vld [tilespmem:s3+$0xB80]  }
0x2e6: {  	v5 =	vadd.f32 v6, v5;
	v6 =	vmul.f32 v62, v18;
	_ =	sdelay $0x1  }
0x2e7: {  	s22 =	sadd.s32 $0x1, s22;
	v5 =	vadd.f32 v6, v5;
	v6 =	vmul.f32 v7, v19  }
0x2e8: {  	p1 =	sne.s32 s22, $0x7  }
.Ltmp13:
0x2e9: {  	v5 =	vadd.f32 v6, v5;
	v6 =	vmul.f32 v63, v20;
	(pc) =	sbr.rel @p1 .LBB2_18-.Ltmp13, $4  }
0x2ea: {  	_ = 	snop  }
0x2eb: {  	s24 =	sadd.s32 s8, s12;
	v5 =	vadd.f32 v6, v5  }
0x2ec: {  	s3 =	sadd.s32 s29, s24  }
0x2ed: {  	[tilespmem:s3+$0x0] =	vst v5  }
0x2ee: {  	s18 =	sadd.s32 $0x1, s18  }
0x2ef: {  	p1 =	sne.s32 s18, $0x7  }
.Ltmp14:
0x2f0: {  	_ = 	snop;
	(pc) =	sbr.rel @p1 .LBB2_3-.Ltmp14, $1  }
0x2f1: {  	_ =	sdelay $0x3  }
0x2f2: {  	p0 =	sne.s32 s2, $0x20  }
.Ltmp15:
0x2f3: {  	_ = 	snop;
	(pc) =	sbr.rel @p0 .LBB2_2-.Ltmp15, $3  }
0x2f4: {  	s0 =	smul.u32 $0x700, s30;
	_ =	sdelay $0x1  }
0x2f5: {  	s3 =	smov.u32 s2;
	s0 =	sadd.s32 s7, s0  }
0x2f6: {  	[hbm4b:s0+s5] =	stream.linear.scatter [tilespmem:s15], [sflag:$0x3], $0x3800, $0x38;
	[tilespmem:$0x1CE00] =	vst v63  }
0x2f7: {  	s2 =	simm.s32 $0x3  }
0x2f8: {  	_ =	swait.ge [sflag:s2], $0x3800  }
0x2f9: {  	[sflag:s2] =	ssyncset.done $0x0  }
0x2fa: {  	[sflag:s2] =	ssyncadd.s32 $0xFFFFC800  }
0x2fb: {  	_ =	swait.ge [sflag:s2], $0x3800  }
0x2fc: {  	s3 =	rddreg [dreg:$0x7]  }
0x2fd: {  	s0 =	rddreg [dreg:$0x6];
	s3 =	sadd.s32 $0x1, s3  }
0x2fe: {  	p0 =	sne.s32 s3, s0  }
.Ltmp16:
0x2ff: {  	_ = 	snop;
	(pc) =	sbr.rel @p0 .LBB2_1-.Ltmp16, $3  }
0x300: {  	_ =	sdelay $0x1  }
0x301: {  	[sflag:s2] =	ssyncset.done $0x0  }
0x302: {  	[sflag:s2] =	ssyncadd.s32 $0xFFFFC800  }
0x303: {  	_ =	sfence.sel $0x180000  }
0x304: {  	[bflag:$0x0] =	sbarrier.arrive $0xFFFF  }
0x305: {  	_ =	strace $0x90000047  }
0x306: {  	s0 =	stileid.u32;
	[bflag:$0x2] =	sbarrier.arrive $0xFFFF  }
0x307: {  	p0 =	sne.s32 s0, $0x0;
	s0 =	rddreg [dreg:$0x3]  }
0x308: {  	s0 =	sadd.s32 @!p0 $0x100000, s0  }
0x309: {  	[sflag:s0] =	ssyncadd.tile.s32 @!p0 $0x1;
	_ =	shalt  }
.Lfunc_end2:
_tile_overlayer_lowered:
.L_overlay_start_2:
0x30a: {  	(tag) =	ssettag $0x2  }
0x30b: {  	s0 =	rddreg [dreg:$0x0];
	s2 =	stileid.u32  }
0x30c: {  	s1 =	rddreg [dreg:$0x1];
	p0 =	sne.s32 s2, $0x0  }
0x30d: {  	s3 =	rddreg [dreg:$0x2];
	[bflag:$0x3] =	sbarrier.arrive $0xFFFF;
	s2 =	simm.s32 @!p0 $0x1C05  }
0x30e: {  	[timem:s3], [sflag:s2] =	dma.local @!p0 [hbm:s0], s1  }
0x30f: {  	s0 =	simm.s32 @!p0 $0x5  }
0x310: {  	_ =	swait.ge @!p0 [sflag:s0], s1  }
0x311: {  	s1 =	ssub.s32 @!p0 $0x0, s1;
	[sflag:s0] =	ssyncset.done @!p0 $0x0  }
0x312: {  	[sflag:s0] =	ssyncadd.s32 @!p0 s1  }
0x313: {  	[bflag:$0x3] =	sbarrier.arrive $0xFFFF  }
0x314: {  	_ =	shalt  }

// kernel: sparse-core-data-format-call.cloned.1.call-start
scs
called_computation_lowered:
.L_overlay_start_0:
0x0: {  	s2 =	sld [smem:$0x3FD9]  }
0x1: {  	s3 =	sld [smem:$0x3FFE];
	_ =	sdelay $0x1  }
0x2: {  	s1 =	srdreg.scid  }
0x3: {  	s0 =	sand.u32 $0x1, s1  }
0x4: {  	s18 =	sshll.u32 s0, $0xA;
	s2 =	sadd.s32 s3, s2  }
0x5: {  	s2 =	sadd.s32 s2, s18  }
0x6: {  	[smem:$0x3FC6] =	sst s2  }
0x7: {  	_ = 	snop  }
0x8: {  	s2 =	sld [smem:$0x3FD0];
	(tm) =	ssettm $0x1  }
0x9: {  	s19 =	sld [smem:$0x3FFB];
	_ =	sdelay $0x3  }
0xa: {  	_ =	strace s19  }
0xb: {  	s3 =	sld [smem:$0x3FFC];
	_ =	sdelay $0x3  }
0xc: {  	_ =	strace s3  }
0xd: {  	s3 =	sld [smem:$0x3FFD];
	_ =	sdelay $0x3  }
0xe: {  	_ =	strace s3  }
0xf: {  	_ =	strace $0x8FFFFFFF  }
0x10: {  	s20 =	sld [smem:$0x3FDB];
	_ =	sdelay $0x1  }
0x11: {  	s4 =	simm.s32 $_scs_section_size  }
0x12: {  	s5 =	simm.s32 $_size__tile_overlayer_lowered;
	s6 =	simm.s32 $_tile_overlayer_lowered  }
0x13: {  	s23 =	simm.s32 $0x1BFF;
	s22 =	sshll.u32 s6, $0x1;
	s3 =	sadd.s32 s4, s20  }
0x14: {  	s7 =	simm.s32 $0x0;
	s21 =	sshll.u32 s5, $0x1;
	s5 =	sadd.s32 s22, s3  }
0x15: {  	[timem:s7], [sflag:s23] =	dma.local [hbm:s5], s21  }
0x16: {  	_ =	swait.ge [sflag:s23], s21  }
0x17: {  	s4 =	ssub.s32 $0x0, s21;
	[sflag:s23] =	ssyncset.done $0x0  }
0x18: {  	[sflag:s23] =	ssyncadd.s32 s4;
	_ =	sdelay $0x1  }
0x19: {  	s24 =	simm.s32 $0x1B8B  }
0x1a: {  	_ =	swait.ge [sflag:s24], $0x1  }
0x1b: {  	[sflag:s24] =	ssyncset.done $0x0  }
0x1c: {  	s26 =	simm.s32 $0x1B8E;
	s25 =	sld [smem:$0x3FFE];
	[sflag:s24] =	ssyncadd.s32 $0xFFFFFFFF  }
0x1d: {  	s27 =	simm.s32 $execute0_lowered;
	[smem:$0x3FD2] =	sst s26  }
0x1e: {  	s5 =	sshll.u32 s27, $0x1;
	_ =	strace $0x80000049;
	[dreg:$0x1] =	wrdreg $0xFFFFFFFF  }
0x1f: {  	s28 =	simm.s32 $_size_execute0_lowered;
	s3 =	sadd.s32 s3, s5;
	[dreg:$0x0] =	wrdreg $0x0  }
0x20: {  	s5 =	sshll.u32 s28, $0x1;
	[dreg:$0x2] =	wrdreg s3  }
0x21: {  	[dreg:$0x3] =	wrdreg s5  }
0x22: {  	[dreg:$0x4] =	wrdreg $0xC0  }
0x23: {  	_ =	task [dreg:s7], $0x5FFFF  }
0x24: {  	[dreg:$0x1] =	wrdreg $0xFFFFFFFF  }
0x25: {  	[dreg:$0x0] =	wrdreg $0x60  }
0x26: {  	[dreg:$0x2] =	wrdreg s25  }
0x27: {  	[dreg:$0x3] =	wrdreg s2  }
0x28: {  	[dreg:$0x4] =	wrdreg $0x9  }
0x29: {  	_ =	task.clear_ibuf [dreg:s7], $0x5FFFF;
	_ =	strace $0x90000049  }
0x2a: {  	s29 =	simm.s32 $0x9;
	_ =	strace $0x8000004B  }
0x2b: {  	_ =	swait.ge [sflag:s29], $0x1  }
0x2c: {  	[sflag:s29] =	ssyncadd.s32 $0xFFFFFFFF  }
0x2d: {  	_ =	strace $0x9000004B  }
0x2e: {  	_ =	sfence  }
0x2f: {  	s30 =	sld [smem:$0x0];
	_ =	sdelay $0x2  }
0x30: {  	s31 =	sshll.u32 s1, $0xD;
	s1 =	sshrl.u32 s1, $0x2  }
0x31: {  	s3 =	sand.u32 $0x4000, s31;
	s1 =	sadd.s32 s1, s30  }
0x32: {  	s0 =	sor.u32 s3, s0;
	s1 =	sshll.u32 s1, $0x11  }
0x33: {  	s0 =	sor.u32 s1, s0  }
0x34: {  	s0 =	sadd.s32 $0x8F2B, s0  }
0x35: {  	[sflag:s0] =	ssyncadd.remote.s32 $0x1  }
0x36: {  	_ =	sfence.sel $0xFFFF  }
0x37: {  	[dreg:$0x0] =	wrdreg $0xFFFFFFFF;
	(pc) =	sbr.abs _section_cstart, $3  }
0x38: {  	[dreg:$0x1] =	wrdreg $0xFFFFFFFF  }
0x39: {  	_ =	task.clear_ibuf [dreg:s7], $0x2FFFF;
	_ =	strace $0x9FFFFFFF  }
0x3a: {  	(tm) =	ssettm $0x7FFFFFFF  }
0x3b: {  	_ =	shalt  }
tec
execute0_lowered:
.L_overlay_start_1:
0x0: {  	(tag) =	ssettag $0x1  }
0x1: {  	s0 =	srdreg.scid  }
0x2: {  	s1 =	rddreg [dreg:$0x0];
	s6 =	stileid.u32  }
0x3: {  	_ =	strace $0x8000004A;
	s7 =	simm.s32 $0x19;
	s31 =	simm.s32 $0x2  }
0x4: {  	s20 =	simm.s32 $0x0;
	s12 =	simm.s32 $0x800;
	s13 =	simm.s32 $0x0  }
0x5: {  	s19 =	simm.s32 $0x0;
	s21 =	simm.s32 $0x0;
	s0 =	sshll.u32 s0, $0x7  }
0x6: {  	s14 =	simm.s32 $0x0;
	s15 =	simm.s32 $0x0;
	s3 =	sand.u32 $0x80, s0  }
0x7: {  	s18 =	simm.s32 $0x0;
	s4 =	sshrl.u32 s6, $0x3;
	s0 =	ssub.s32 $0x100, s3  }
0x8: {  	s30 =	sshll.u32 s6, $0x7;
	p0 =	seq.s32 s4, $0x0;
	s2 =	sshrl.u32 s0, $0x7  }
.Ltmp0:
0x9: {  	s0 =	sshrl.u32 s0, $0x8;
	s2 =	sand.u32 $0x1, s2;
	(pc) =	sbr.rel .LBB1_1-.Ltmp0, $4  }
0xa: {  	s6 =	simm.s32 $0x1;
	s7 =	simm.s32 @!p0 $0x18;
	s0 =	sadd.s32 s0, s2  }
0xb: {  	s5 =	sadd.s32 $0x1DD000, s1;
	[sflag:s6] =	ssyncpa.u1 $0x0;
	s7 =	smul.u32 s7, s0  }
0xc: {  	s8 =	sand.u32 $0x380, s30;
	s16 =	smov.u32 s4;
	[sflag:s31] =	ssyncpa.u1 $0x0  }
0xd: {  	s9 =	sshll.u32 s3, $0x3;
	s17 =	smov.u32 s8;
	s10 =	sadd.s32 $0x1, s7  }
.LBB1_9:
0xe: {  	s0 =	sshll.u32 s15, $0x8  }
0xf: {  	s1 =	sshll.u32 s21, $0x3;
	s2 =	sshll.u32 s15, $0x7;
	s0 =	sand.u32 $0xFFFFF800, s0  }
0x10: {  	s24 =	sand.u32 $0x300, s2;
	s0 =	sor.u32 s0, s1  }
0x11: {  	p0 =	sgt.s32 s14, $0x30;
	s0 =	sor.u32 s24, s0  }
0x12: {  	s26 =	smul.u32 $0x7D00, s14;
	s1 =	smov.u32 s14;
	s0 =	sshrl.u32 s0, $0x8  }
0x13: {  	s1 =	simm.s32 @!p0 $0x30;
	s25 =	smulhi.u32 $0x83126F, s0  }
0x14: {  	s27 =	sshll.u32 s15, $0x4;
	s28 =	sshll.u32 s18, $0xE;
	s1 =	sadd.s32 s22, s1  }
0x15: {  	s29 =	rddreg [dreg:$0x1];
	s11 =	sadd.s32 $0xFFFFFFD0, s1;
	s2 =	sshrl.u32 s25, $0x1  }
0x16: {  	s1 =	ssub.s32 $0x31, s1;
	p0 =	sgt.s32 s11, $0x0;
	s2 =	smul.u32 $0x3E8, s2  }
0x17: {  	s31 =	simm.s32 $0x400;
	s11 =	sadd.s32 s29, s26;
	s1 =	simm.s32 @p0 $0x0  }
0x18: {  	s1 =	smul.u32 s1, s23;
	s0 =	ssub.s32 s0, s2;
	s2 =	sand.u32 $0x10, s27  }
0x19: {  	s21 =	sand.u32 $0x4000, s28;
	s0 =	sshll.u32 s0, $0x5;
	s2 =	sadd.s32 s2, s11  }
0x1a: {  	s30 =	sor.u32 $0x8000, s21;
	s1 =	sand.u32 $0x3FFFFF80, s1;
	s0 =	sadd.s32 s0, s2  }
0x1b: {  	[hbm4b:s0+s31] =	stream.strided.scatter [tilespmem:s30], [sflag:$0x2], s1, s12, s31, $0x38;
	[tilespmem:$0x10000] =	vst v63  }
.LBB1_10:
0x1c: {  	p0 =	slt.u32 s18, $0x2  }
0x1d: {  	p1 =	sgt.s32 @!p0 s20, $0x30  }
0x1e: {  	s0 =	smov.u32 s20;
	s2 =	smov.u32 s19;
	p1 =	por !p1, p0  }
0x1f: {  	s1 =	sshra.s32 @!p0 s20, $0x1F;
	s0 =	simm.s32 @p1 $0x30;
	p1 =	sgt.s32 @!p0 s19, $0x368  }
0x20: {  	s11 =	sshra.s32 @!p0 s19, $0x1F;
	s1 =	sand.u32 @!p0 s1, s20;
	p1 =	por !p1, p0  }
0x21: {  	s0 =	ssub.s32 @!p0 s0, s1;
	s1 =	sand.u32 @!p0 s11, s19;
	s2 =	simm.s32 @p1 $0x368  }
0x22: {  	s1 =	ssub.s32 @!p0 s2, s1  }
0x23: {  	s11 =	sadd.s32 @!p0 $0xFFFFFFD0, s0;
	s0 =	ssub.s32 @!p0 $0x31, s0;
	s1 =	sadd.s32 @!p0 $0xFFFFFC98, s1  }
0x24: {  	p1 =	sgt.s32 @!p0 s11, $0x0;
	p2 =	sgt.s32 @!p0 s1, $0x7F;
	s1 =	sshll.u32 @!p0 s1, $0x7  }
0x25: {  	p1 =	por !p1, p0;
	s1 =	ssub.s32 @!p0 $0x4000, s1;
	p2 =	por !p2, p0  }
0x26: {  	s0 =	simm.s32 @!p1 $0x0;
	s1 =	simm.s32 @!p2 $0x0  }
0x27: {  	s0 =	smul.u32 @!p0 s0, s1;
	s1 =	sadd.s32 $0x2, s16  }
0x28: {  	s22 =	smov.u32 s17;
	s11 =	sadd.s32 $0x400, s17;
	p1 =	sgt.s32 s1, $0x30  }
0x29: {  	s22 =	smov.u32 @p1 s11  }
0x2a: {  	s1 =	smov.u32 @p1 s4;
	p1 =	sgt.s32 s22, $0x3E7  }
0x2b: {  	s13 =	sadd.s32 $0x4000, s13;
	s22 =	smov.u32 @p1 s8;
	p1 =	sne.s32 s18, s10  }
.Ltmp1:
0x2c: {  	s21 =	smov.u32 s3;
	s20 =	smov.u32 s14;
	(pc) =	sbr.rel @!p1 .LBB1_11-.Ltmp1, $4  }
0x2d: {  	s14 =	smov.u32 s16;
	s2 =	simm.s32 @!p0 $0x2;
	s0 =	sand.u32 @!p0 $0x3FFFFF80, s0  }
0x2e: {  	s19 =	smov.u32 s15;
	s15 =	smov.u32 s17;
	_ =	swait.ge @!p0 [sflag:s2], s0  }
0x2f: {  	s0 =	ssub.s32 @!p0 $0x0, s0;
	s16 =	smov.u32 s1;
	[sflag:s2] =	ssyncset.done @!p0 $0x0  }
0x30: {  	s18 =	sadd.s32 $0x1, s18;
	[sflag:s2] =	ssyncadd.s32 @!p0 s0;
	s17 =	smov.u32 s22  }
.LBB1_1:
0x31: {  	p0 =	sge.u32 s18, s7;
	s11 =	smov.u32 s17;
	s31 =	sadd.s32 $0xFFFFFFFF, s18  }
0x32: {  	s0 =	sshll.u32 @!p0 s16, $0x8;
	s1 =	sshll.u32 @!p0 s16, $0x7;
	p1 =	sgt.s32 @!p0 s17, $0x368  }
0x33: {  	p2 =	sgt.s32 @!p0 s16, $0x37;
	s2 =	sshra.s32 @!p0 s16, $0x1F;
	s22 =	sshra.s32 @!p0 s17, $0x1F  }
0x34: {  	s0 =	sand.u32 @!p0 $0xFFFFF800, s0;
	s1 =	sand.u32 @!p0 $0x300, s1;
	p1 =	por !p1, p0  }
0x35: {  	p2 =	por !p2, p0;
	s22 =	sand.u32 @!p0 s22, s17;
	s0 =	sor.u32 @!p0 s9, s0  }
0x36: {  	s11 =	simm.s32 @p1 $0x368;
	s0 =	sor.u32 @!p0 s1, s0;
	s1 =	smov.u32 s16  }
0x37: {  	s2 =	sand.u32 @!p0 s2, s16;
	s11 =	ssub.s32 @!p0 s11, s22;
	s1 =	simm.s32 @p2 $0x37  }
0x38: {  	s0 =	sshrl.u32 @!p0 s0, $0x8;
	s11 =	sadd.s32 @!p0 $0xFFFFFC98, s11;
	s1 =	ssub.s32 @!p0 s1, s2  }
0x39: {  	s2 =	smulhi.u32 @!p0 $0x4924925, s0;
	p2 =	sgt.s32 @!p0 s11, $0x7F;
	s22 =	sadd.s32 @!p0 $0xFFFFFFC9, s1  }
0x3a: {  	s11 =	sshll.u32 @!p0 s11, $0x7;
	s1 =	ssub.s32 @!p0 $0x38, s1;
	p1 =	sgt.s32 @!p0 s22, $0x0  }
0x3b: {  	s11 =	ssub.s32 @!p0 $0x4000, s11;
	s2 =	smul.u32 @!p0 $0x38, s2;
	p1 =	por !p1, p0  }
0x3c: {  	s22 =	sxor.u32 @!p0 $0xFFFFFFFF, s18;
	s1 =	simm.s32 @!p1 $0x0;
	p1 =	por !p2, p0  }
0x3d: {  	s0 =	ssub.s32 @!p0 s0, s2;
	s2 =	smul.u32 @!p0 $0x700, s17;
	s11 =	simm.s32 @!p1 $0x0  }
0x3e: {  	s22 =	sshll.u32 @!p0 s22, $0xE;
	s1 =	smul.u32 @!p0 s1, s11;
	s11 =	sshll.u32 @!p0 s16, $0x4  }
0x3f: {  	s22 =	sand.u32 @!p0 $0x4000, s22;
	s2 =	sadd.s32 @!p0 s5, s2;
	s11 =	sand.u32 @!p0 $0x10, s11  }
0x40: {  	s0 =	sshll.u32 @!p0 s0, $0x5;
	s1 =	sand.u32 @!p0 $0x3FFFFF80, s1;
	s2 =	sadd.s32 @!p0 s11, s2  }
0x41: {  	s11 =	simm.s32 @!p0 $0x3800;
	s0 =	sadd.s32 @!p0 s0, s2;
	s2 =	simm.s32 @!p0 $0x80  }
0x42: {  	[tilespmem:s22], [sflag:$0x1] =	stream.strided.gather @!p0 [hbm4b:s0+s2], s1, s11, s2, $0x38;
	[tilespmem:$0x10000] =	vst v63  }
0x43: {  	p0 =	sge.u32 s31, s7  }
.Ltmp2:
0x44: {  	_ = 	snop;
	(pc) =	sbr.rel @p0 .LBB1_10-.Ltmp2, $1  }
0x45: {  	_ =	sdelay $0x3  }
0x46: {  	p0 =	sgt.s32 s15, $0x368;
	s0 =	smov.u32 s15;
	s1 =	sshra.s32 s15, $0x1F  }
0x47: {  	s2 =	ssub.s32 $0x0, s14;
	s0 =	simm.s32 @!p0 $0x368;
	s1 =	sand.u32 s1, s15  }
0x48: {  	s11 =	sshra.s32 s14, $0x1F;
	s23 =	smov.u32 s14;
	s0 =	ssub.s32 s0, s1  }
0x49: {  	p0 =	sgt.s32 s14, $0x37;
	s22 =	sand.u32 s2, s11;
	s0 =	sadd.s32 $0xFFFFFC98, s0  }
0x4a: {  	s23 =	simm.s32 @!p0 $0x37;
	p0 =	sgt.s32 s0, $0x7F;
	s0 =	sshll.u32 s0, $0x7  }
0x4b: {  	s29 =	sadd.s32 s22, s23;
	s23 =	ssub.s32 $0x4000, s0;
	s0 =	sadd.s32 $0x80, s15  }
0x4c: {  	s2 =	sadd.s32 $0x1, s14;
	s23 =	simm.s32 @p0 $0x0;
	p0 =	slt.s32 s0, $0x3E8  }
0x4d: {  	s30 =	sadd.s32 $0xFFFFFFC9, s29;
	s0 =	simm.s32 @!p0 $0x3E8;
	p0 =	slt.s32 s2, $0x31  }
0x4e: {  	s1 =	ssub.s32 $0x38, s29;
	s24 =	ssub.s32 s0, s15;
	s2 =	simm.s32 @!p0 $0x31  }
0x4f: {  	p1 =	sgt.s32 s30, $0x0;
	s25 =	ssub.s32 s2, s14;
	p0 =	slt.s32 s24, $0x1  }
0x50: {  	s1 =	simm.s32 @p1 $0x0;
	p1 =	slt.s32 @!p0 s25, $0x1  }
0x51: {  	s1 =	smul.u32 s1, s23;
	p0 =	por p0, p1  }
.Ltmp3:
0x52: {  	_ = 	snop;
	(pc) =	sbr.rel @p0 .LBB1_9-.Ltmp3, $4  }
0x53: {  	s31 =	sand.u32 $0x3FFFFF80, s1  }
0x54: {  	_ =	swait.ge [sflag:s6], s31  }
0x55: {  	s0 =	ssub.s32 $0x0, s31;
	[sflag:s6] =	ssyncset.done $0x0  }
0x56: {  	[sflag:s6] =	ssyncadd.s32 s0  }
0x57: {  	s0 =	sshll.u32 s13, $0x2  }
0x58: {  	s0 =	sand.u32 $0x10000, s0  }
0x59: {  	s26 =	sshrl.u32 s0, $0x2  }
0x5a: {  	s28 =	simm.s32 $0x0;
	s29 =	simm.s32 $0x0;
	s27 =	sor.u32 $0x8000, s26  }
.LBB1_4:
0x5b: {  	s0 =	sand.u32 $0x3F80, s28  }
0x5c: {  	s31 =	simm.s32 $0x0;
	s11 =	sadd.s32 s0, s27;
	s0 =	simm.s32 $0x0  }
.LBB1_5:
0x5d: {  	s1 =	sand.u32 $0x7, s31  }
0x5e: {  	s1 =	sadd.s32 s1, s29  }
0x5f: {  	s1 =	sshll.u32 s1, $0x9  }
0x60: {  	s1 =	sshra.s32 s1, $0x2  }
0x61: {  	s2 =	simm.s32 $0xFFFFFFF0;
	s30 =	smov.u32 s11;
	s1 =	sadd.s32 s1, s26  }
.LBB1_6:
0x62: {  	s2 =	sadd.s32 $0x10, s2  }
0x63: {  	v0 =	vld [tilespmem:s1+$0x0];
	p0 =	slt.u32 s2, $0x70  }
.Ltmp4:
0x64: {  	_ = 	snop;
	(pc) =	sbr.rel @p0 .LBB1_6-.Ltmp4, $2  }
0x65: {  	_ =	sdelay $0x2  }
0x66: {  	s1 =	sadd.s32 $0x10, s1;
	[tilespmem:s30+$0x0] =	vst v0;
	s30 =	sadd.s32 $0x10, s30  }
0x67: {  	s0 =	sadd.s32 $0x1, s0  }
0x68: {  	p0 =	sne.s32 s0, s25  }
.Ltmp5:
0x69: {  	_ = 	snop;
	(pc) =	sbr.rel @p0 .LBB1_5-.Ltmp5, $2  }
0x6a: {  	_ =	sdelay $0x2  }
0x6b: {  	s11 =	sadd.s32 $0x4000, s11;
	s31 =	sadd.s32 $0x1, s31  }
0x6c: {  	s29 =	sadd.s32 $0x1, s29  }
0x6d: {  	p0 =	sne.s32 s29, s24  }
.Ltmp6:
0x6e: {  	_ = 	snop;
	(pc) =	sbr.rel @p0 .LBB1_4-.Ltmp6, $4  }
.Ltmp7:
0x6f: {  	_ = 	snop;
	(pc) =	sbr.rel @!p0 .LBB1_9-.Ltmp7, $4  }
0x70: {  	_ = 	snop  }
0x71: {  	_ = 	snop  }
0x72: {  	s28 =	sadd.s32 $0x80, s28  }
0x73: {  	_ = 	snop  }
.LBB1_11:
0x74: {  	_ =	sfence.sel $0x180000  }
0x75: {  	s0 =	simm.s32 $0x1;
	[bflag:$0x0] =	sbarrier.arrive $0xFFFF  }
0x76: {  	s30 =	simm.s32 $0x2;
	[sflag:s0] =	ssyncpa.u1 $0x1  }
0x77: {  	[sflag:s30] =	ssyncpa.u1 $0x1  }
0x78: {  	_ =	strace $0x9000004A  }
0x79: {  	s31 =	stileid.u32;
	[bflag:$0x2] =	sbarrier.arrive $0xFFFF  }
0x7a: {  	p0 =	sne.s32 s31, $0x0;
	s0 =	rddreg [dreg:$0x2]  }
0x7b: {  	s0 =	sadd.s32 @!p0 $0x100000, s0  }
0x7c: {  	[sflag:s0] =	ssyncadd.tile.s32 @!p0 $0x1;
	_ =	shalt  }
.Lfunc_end1:
_tile_overlayer_lowered:
.L_overlay_start_2:
0x7d: {  	(tag) =	ssettag $0x2  }
0x7e: {  	s0 =	rddreg [dreg:$0x0];
	s2 =	stileid.u32  }
0x7f: {  	s1 =	rddreg [dreg:$0x1];
	p0 =	sne.s32 s2, $0x0  }
0x80: {  	s3 =	rddreg [dreg:$0x2];
	[bflag:$0x3] =	sbarrier.arrive $0xFFFF;
	s2 =	simm.s32 @!p0 $0x1C01  }
0x81: {  	[timem:s3], [sflag:s2] =	dma.local @!p0 [hbm:s0], s1  }
0x82: {  	s0 =	simm.s32 @!p0 $0x1  }
0x83: {  	_ =	swait.ge @!p0 [sflag:s0], s1  }
0x84: {  	s1 =	ssub.s32 @!p0 $0x0, s1;
	[sflag:s0] =	ssyncset.done @!p0 $0x0  }
0x85: {  	[sflag:s0] =	ssyncadd.s32 @!p0 s1  }
0x86: {  	[bflag:$0x3] =	sbarrier.arrive $0xFFFF  }
0x87: {  	_ =	shalt  }

</sc_bundles>
